<compile_context>
chip_gen: v7x
topology: tpu7x:2x2x1
jax: 0.10.2.dev20260603
libtpu: 0.0.44.dev20260713+nightly
codegen_flags: <defaults>
</compile_context>

<pallas_src>
import functools

import jax
import jax.numpy as jnp
from jax import lax
from jax.experimental import pallas as pl
from jax.experimental.pallas import tpu as pltpu
from jax.experimental.pallas import tpu_sc as plsc

N = 10000
E = 320000
D = 128
H = 128
N2 = 10240
RPT = 640
EB = 64
BPW = 160
NBLK = 32 * BPW
EPAD = NBLK * EB - E
NBUF = 2
PD = 1
SB = 32
NSB = BPW // SB

_mesh = plsc.VectorSubcoreMesh(core_axis_name="c", subcore_axis_name="s")


def _fill(ref, val, n):
    def body(i, _):
        ref[pl.ds(i * 16, 16)] = jnp.full((16,), val, jnp.float32)
        return 0
    lax.fori_loop(0, n // 16, body, 0)


@functools.partial(
    pl.kernel,
    out_type=jax.ShapeDtypeStruct((2 * N2,), jnp.float32),
    mesh=_mesh,
    scratch_types=[
        pltpu.VMEM_SHARED((N2,), jnp.float32),
        pltpu.VMEM((BPW, EB), jnp.int32),
        pltpu.VMEM((EB,), jnp.float32),
        pltpu.VMEM((RPT,), jnp.float32),
        pltpu.SemaphoreType.DMA,
    ],
)
def _sc_degree(dst_hbm, out_hbm, degS, diball, ones, zb, ssem):
    c = lax.axis_index("c")
    s = lax.axis_index("s")
    wid = c * 16 + s
    _fill(zb, 0.0, RPT)
    _fill(ones, 1.0, EB)
    pltpu.sync_copy(dst_hbm.at[pl.ds(wid * BPW, BPW)], diball)
    pltpu.sync_copy(zb, degS.at[pl.ds(s * RPT, RPT)])
    plsc.subcore_barrier()

    def fire(j, _):
        pltpu.async_copy(ones, degS.at[diball.at[j]], ssem, add=True)
        return 0
    lax.fori_loop(0, BPW, fire, 0)

    def drain(j, _):
        pltpu.make_async_copy(ones, degS.at[diball.at[0]], ssem).wait()
        return 0
    lax.fori_loop(0, BPW, drain, 0)

    plsc.subcore_barrier()

    @pl.when(s == 0)
    def _():
        pltpu.sync_copy(degS, out_hbm.at[pl.ds(c * N2, N2)])


@functools.partial(
    pl.kernel,
    out_type=[jax.ShapeDtypeStruct((N2, D), jnp.float32),
              jax.ShapeDtypeStruct((N2, D), jnp.float32)],
    mesh=_mesh,
    scratch_types=[
        pltpu.VMEM_SHARED((N2, D), jnp.float32),
        pltpu.VMEM((2, SB, EB), jnp.int32),
        pltpu.VMEM((2, SB, EB), jnp.int32),
        pltpu.VMEM((NBUF, EB, D), jnp.float32),
        pltpu.VMEM((16, D), jnp.float32),
        pltpu.SemaphoreType.DMA((NBUF,)),
        pltpu.SemaphoreType.DMA((NBUF,)),
        pltpu.SemaphoreType.DMA,
        pltpu.SemaphoreType.DMA,
    ],
)
def _sc_agg(u_hbm, src_hbm, dst_hbm, outa, outb,
            agg, sib, dib, gbuf, zb, gsem, ssem, psem, qsem):
    c = lax.axis_index("c")
    s = lax.axis_index("s")
    wid = c * 16 + s
    start = wid * BPW

    zb[...] = jnp.zeros((16, D), jnp.float32)

    def zcopy(k, _):
        pltpu.sync_copy(zb, agg.at[pl.ds(s * RPT + k * 16, 16)])
        return 0
    lax.fori_loop(0, RPT // 16, zcopy, 0)

    pltpu.async_copy(src_hbm.at[pl.ds(start, SB)], sib.at[0], psem)
    pltpu.async_copy(dst_hbm.at[pl.ds(start, SB)], dib.at[0], qsem)
    plsc.subcore_barrier()

    def step(j, _):
        q = lax.div(j, SB)
        r = lax.rem(j, SB)
        sl = lax.rem(q, 2)
        b = lax.rem(j, NBUF)
        jp = j - PD
        bp = lax.rem(jp + NBUF, NBUF)
        qp = lax.div(jp + SB, SB) - 1
        rp = jp - qp * SB
        slp = lax.rem(qp + 2, 2)

        @pl.when(j >= NBUF)
        def _():
            pltpu.make_async_copy(gbuf.at[b], agg.at[dib.at[0, 0]],
                                  ssem.at[b]).wait()

        @pl.when((r == 0) & (j < BPW))
        def _():
            pltpu.make_async_copy(src_hbm.at[pl.ds(start, SB)],
                                  sib.at[0], psem).wait()
            pltpu.make_async_copy(dst_hbm.at[pl.ds(start, SB)],
                                  dib.at[0], qsem).wait()

        @pl.when((r == NBUF) & (j + SB < BPW))
        def _():
            off = start + (q + 1) * SB
            pltpu.async_copy(src_hbm.at[pl.ds(off, SB)],
                             sib.at[lax.rem(q + 1, 2)], psem)
            pltpu.async_copy(dst_hbm.at[pl.ds(off, SB)],
                             dib.at[lax.rem(q + 1, 2)], qsem)

        @pl.when(j < BPW)
        def _():
            pltpu.async_copy(u_hbm.at[sib.at[sl, r]], gbuf.at[b], gsem.at[b])

        @pl.when((jp >= 0) & (jp < BPW))
        def _():
            pltpu.make_async_copy(u_hbm.at[sib.at[0, 0]],
                                  gbuf.at[bp], gsem.at[bp]).wait()
            pltpu.async_copy(gbuf.at[bp], agg.at[dib.at[slp, rp]],
                             ssem.at[bp], add=True)
        return 0
    lax.fori_loop(0, BPW + NBUF, step, 0)

    plsc.subcore_barrier()

    @pl.when(c == 0)
    def _():
        pltpu.sync_copy(agg.at[pl.ds(s * RPT, RPT)], outa.at[pl.ds(s * RPT, RPT)])

    @pl.when(c == 1)
    def _():
        pltpu.sync_copy(agg.at[pl.ds(s * RPT, RPT)], outb.at[pl.ds(s * RPT, RPT)])


_BLK = 1280
_GRID = N2 // _BLK


def _row_spec(w):
    return pl.BlockSpec((_BLK, w), lambda i: (i, 0))


def _full_spec(shape):
    nd = len(shape)
    return pl.BlockSpec(shape, lambda i: (0,) * nd)


def _k1_body(x_ref, dega_ref, degb_ref, v1_ref, dinv_ref):
    dinv = lax.rsqrt(dega_ref[...] + degb_ref[...] + 1.0)
    v1_ref[...] = x_ref[...] * dinv
    dinv_ref[...] = dinv


def _ln(t, g, b):
    mu = jnp.mean(t, axis=1, keepdims=True)
    var = jnp.mean((t - mu) * (t - mu), axis=1, keepdims=True)
    return g * (t - mu) * lax.rsqrt(var + 1e-5) + b


def _kc_body(ctx_ref, wc1_ref, bc1_ref, wc2_ref, bc2_ref, wh1b_ref,
             cpart_ref):
    c1 = jax.nn.relu(jnp.dot(ctx_ref[...], wc1_ref[...],
                             preferred_element_type=jnp.float32) + bc1_ref[...])
    c2 = jnp.dot(c1, wc2_ref[...], preferred_element_type=jnp.float32) + bc2_ref[...]
    cpart_ref[...] = jnp.dot(c2, wh1b_ref[...], preferred_element_type=jnp.float32)


def _k2_body(agga_ref, aggb_ref, v_ref, dinv_ref, w_ref, b_ref, g_ref,
             be_ref, v2_ref):
    dinv = dinv_ref[...]
    s = (agga_ref[...] + aggb_ref[...] + v_ref[...]) * dinv
    t = jnp.dot(s, w_ref[...], preferred_element_type=jnp.float32) + b_ref[...]
    h = jax.nn.relu(_ln(t, g_ref[...], be_ref[...]))
    v2_ref[...] = h * dinv


def _k3_body(agga_ref, aggb_ref, v_ref, dinv_ref, w_ref, b_ref, g_ref,
             be_ref, cpart_ref, wh1t_ref, bh1_ref, wh2_ref, bh2_ref, out_ref):
    s = (agga_ref[...] + aggb_ref[...] + v_ref[...]) * dinv_ref[...]
    t = jnp.dot(s, w_ref[...], preferred_element_type=jnp.float32) + b_ref[...]
    h2 = jax.nn.relu(_ln(t, g_ref[...], be_ref[...]))
    a = jax.nn.relu(jnp.dot(h2, wh1t_ref[...], preferred_element_type=jnp.float32)
                    + cpart_ref[...] + bh1_ref[...])
    out_ref[...] = jnp.dot(a, wh2_ref[...],
                           preferred_element_type=jnp.float32) + bh2_ref[...]


def kernel(x, edge_index, ctx_nodes, W1, b1, g1, be1, W2, b2, g2, be2,
           Wc1, bc1, Wc2, bc2, Wh1, bh1, Wh2, bh2):
    pidx = jnp.arange(EPAD, dtype=jnp.int32)
    src_p = jnp.concatenate([edge_index[0], pidx % N])
    dst_p = jnp.concatenate([edge_index[1], N + pidx % (N2 - N)])
    src2d = src_p.reshape(NBLK, EB)
    dst2d = dst_p.reshape(NBLK, EB)
    x_p = jnp.pad(x, ((0, N2 - N), (0, 0)))
    ctx_p = jnp.pad(ctx_nodes, ((0, N2 - N), (0, 0)))

    deg2 = _sc_degree(dst2d)
    dega = deg2[:N2].reshape(N2, 1)
    degb = deg2[N2:].reshape(N2, 1)

    v1, dinv = pl.pallas_call(
        _k1_body,
        grid=(_GRID,),
        in_specs=[_row_spec(D), _row_spec(1), _row_spec(1)],
        out_specs=[_row_spec(H), _row_spec(1)],
        out_shape=[
            jax.ShapeDtypeStruct((N2, H), jnp.float32),
            jax.ShapeDtypeStruct((N2, 1), jnp.float32),
        ],
    )(x_p, dega, degb)

    cpart = pl.pallas_call(
        _kc_body,
        grid=(_GRID,),
        in_specs=[
            _row_spec(16), _full_spec((16, 16)), _full_spec((1, 16)),
            _full_spec((16, H)), _full_spec((1, H)), _full_spec((H, H)),
        ],
        out_specs=_row_spec(H),
        out_shape=jax.ShapeDtypeStruct((N2, H), jnp.float32),
    )(ctx_p, Wc1, bc1.reshape(1, 16), Wc2, bc2.reshape(1, H), Wh1[H:])

    agg1a, agg1b = _sc_agg(v1, src2d, dst2d)

    v2 = pl.pallas_call(
        _k2_body,
        grid=(_GRID,),
        in_specs=[
            _row_spec(H), _row_spec(H), _row_spec(H), _row_spec(1),
            _full_spec((D, H)), _full_spec((1, H)), _full_spec((1, H)),
            _full_spec((1, H)),
        ],
        out_specs=_row_spec(H),
        out_shape=jax.ShapeDtypeStruct((N2, H), jnp.float32),
    )(agg1a, agg1b, v1, dinv, W1, b1.reshape(1, H), g1.reshape(1, H),
      be1.reshape(1, H))

    agg2a, agg2b = _sc_agg(v2, src2d, dst2d)

    logits = pl.pallas_call(
        _k3_body,
        grid=(_GRID,),
        in_specs=[
            _row_spec(H), _row_spec(H), _row_spec(H), _row_spec(1),
            _full_spec((H, H)), _full_spec((1, H)), _full_spec((1, H)),
            _full_spec((1, H)),
            _row_spec(H), _full_spec((H, H)), _full_spec((1, H)),
            _full_spec((H, 8)), _full_spec((1, 8)),
        ],
        out_specs=_row_spec(8),
        out_shape=jax.ShapeDtypeStruct((N2, 8), jnp.float32),
    )(agg2a, agg2b, v2, dinv, W2, b2.reshape(1, H), g2.reshape(1, H),
      be2.reshape(1, H), cpart, Wh1[:H], bh1.reshape(1, H), Wh2,
      bh2.reshape(1, 8))

    return logits[:N]

# --- scband reference (transcript-rebuilt; emitter-appended) ---
"""Pipeline reference for scband-gcncontext-node-classifier-26731876451145 (READ-ONLY COPY).

The authoritative reference and input builder live on the scoring server;
editing this copy changes nothing except your own understanding.
"""

import jax, jax.numpy as jnp
import numpy as np

N = 10000
E = 320000
D_IN = 128
H = 128
CTX = 16
BOT = 16
NC = 8


def setup_inputs(seed: int = 0) -> dict:
    key = jax.random.key(seed)
    ks = jax.random.split(key, 12)

    def w(k, shape, fan_in):
        return jax.random.normal(k, shape, jnp.float32) / np.sqrt(fan_in)

    inp = {}
    inp["x"] = jax.random.normal(ks[0], (N, D_IN), jnp.float32)
    inp["edge_index"] = jax.random.randint(ks[1], (2, E), 0, N, jnp.int32)
    inp["ctx_nodes"] = jax.random.normal(ks[2], (N, CTX), jnp.float32)
    # GCN layer 1 (weight, bias, layernorm gamma/beta)
    inp["W1"] = w(ks[3], (D_IN, H), D_IN)
    inp["b1"] = jnp.zeros((H,), jnp.float32)
    inp["g1"] = jnp.ones((H,), jnp.float32)
    inp["be1"] = jnp.zeros((H,), jnp.float32)
    # GCN layer 2
    inp["W2"] = w(ks[4], (H, H), H)
    inp["b2"] = jnp.zeros((H,), jnp.float32)
    inp["g2"] = jnp.ones((H,), jnp.float32)
    inp["be2"] = jnp.zeros((H,), jnp.float32)
    # ctx_proj MLP
    inp["Wc1"] = w(ks[5], (CTX, BOT), CTX)
    inp["bc1"] = jnp.zeros((BOT,), jnp.float32)
    inp["Wc2"] = w(ks[6], (BOT, H), BOT)
    inp["bc2"] = jnp.zeros((H,), jnp.float32)
    # concat head
    inp["Wh1"] = w(ks[7], (2 * H, H), 2 * H)
    inp["bh1"] = jnp.zeros((H,), jnp.float32)
    inp["Wh2"] = w(ks[8], (H, NC), H)
    inp["bh2"] = jnp.zeros((NC,), jnp.float32)
    return inp


def _gcn_conv(h, src, dst, W, b):
    # GCNConv with added self-loops and symmetric normalization
    n = h.shape[0]
    loop = jnp.arange(n, dtype=src.dtype)
    src_a = jnp.concatenate([src, loop])
    dst_a = jnp.concatenate([dst, loop])
    deg = jnp.zeros((n,), h.dtype).at[dst_a].add(1.0)
    dinv = jnp.where(deg > 0, jax.lax.rsqrt(deg), 0.0)
    norm = dinv[src_a] * dinv[dst_a]
    hW = h @ W
    msg = hW[src_a] * norm[:, None]
    out = jnp.zeros_like(hW).at[dst_a].add(msg)
    return out + b


def _ln(h, g, b):
    mu = jnp.mean(h, axis=-1, keepdims=True)
    var = jnp.var(h, axis=-1, keepdims=True)
    return g * (h - mu) / jnp.sqrt(var + 1e-5) + b


def reference(x, edge_index, ctx_nodes, W1, b1, g1, be1, W2, b2, g2, be2,
              Wc1, bc1, Wc2, bc2, Wh1, bh1, Wh2, bh2):
    # eval mode: dropout is identity
    src, dst = edge_index[0], edge_index[1]
    h = jax.nn.relu(_ln(_gcn_conv(x, src, dst, W1, b1), g1, be1))
    h = jax.nn.relu(_ln(_gcn_conv(h, src, dst, W2, b2), g2, be2))
    ctx = jax.nn.relu(ctx_nodes @ Wc1 + bc1) @ Wc2 + bc2
    fused = jnp.concatenate([h, ctx], axis=1)
    logits = jax.nn.relu(fused @ Wh1 + bh1) @ Wh2 + bh2
    return logits

if __name__ == "__main__":
    import jax
    _d = setup_inputs()
    print(jax.jit(kernel)(*tuple(_d.values())))

</pallas_src>

<mosaic_0001>
#map = affine_map<(d0, d1) -> (0, 0)>
module attributes {stable_mosaic.version = 14 : i64} {
  func.func @_sc_agg(%arg0: i32, %arg1: i32, %arg2: memref<10240x128xf32, #tpu.memory_space<hbm>>, %arg3: memref<5120x64xi32, #tpu.memory_space<hbm>>, %arg4: memref<5120x64xi32, #tpu.memory_space<hbm>>, %arg5: memref<10240x128xf32, #tpu.memory_space<hbm>>, %arg6: memref<10240x128xf32, #tpu.memory_space<hbm>>, %arg7: memref<10240x128xf32, #tpu.memory_space<vmem_shared>>, %arg8: memref<2x32x64xi32, #tpu.memory_space<vmem>>, %arg9: memref<2x32x64xi32, #tpu.memory_space<vmem>>, %arg10: memref<2x64x128xf32, #tpu.memory_space<vmem>>, %arg11: memref<16x128xf32, #tpu.memory_space<vmem>>, %arg12: memref<2x!tpu.dma_semaphore, #tpu.memory_space<semaphore_mem>>, %arg13: memref<2x!tpu.dma_semaphore, #tpu.memory_space<semaphore_mem>>, %arg14: memref<!tpu.dma_semaphore, #tpu.memory_space<semaphore_mem>>, %arg15: memref<!tpu.dma_semaphore, #tpu.memory_space<semaphore_mem>>) attributes {dimension_semantics = [#tpu.dimension_semantics<core_parallel>, #tpu.dimension_semantics<subcore_parallel>], iteration_bounds = array<i64: 2, 16>, scalar_prefetch = 0 : i64, scratch_operands = 9 : i64, tpu.core_type = #tpu.core_type<sc_vector_subcore>, window_params = [{transform_indices = #map}, {transform_indices = #map}, {transform_indices = #map}, {transform_indices = #map}, {transform_indices = #map}]} {
    %mul3A = arith.constant 16 : i32
    %mul3A_0 = arith.muli %arg0, %mul3A : i32
    %add3A = arith.addi %mul3A_0, %arg1 : i32
    %mul3A_1 = arith.constant 160 : i32
    %mul3A_2 = arith.muli %add3A, %mul3A_1 : i32
    %broadcast_in_dim3A = arith.constant 0.000000e+00 : f32
    %broadcast_in_dim3A_3 = vector.broadcast %broadcast_in_dim3A : f32 to vector<16x128xf32>
    %swap3A = arith.constant 0 : index
    %swap3A_4 = arith.constant 0 : index
    %swap3A_5 = tpu.vector_load %arg11[%swap3A, %swap3A_4] {strides = array<i32>} : memref<16x128xf32, #tpu.memory_space<vmem>>, vector<16x128xf32>,
    %swap3A_6 = vector.shape_cast %swap3A_5 : vector<16x128xf32> to vector<16x128xf32>
    %swap3A_7 = vector.shape_cast %broadcast_in_dim3A_3 : vector<16x128xf32> to vector<16x128xf32>
    tpu.vector_store %arg11[%swap3A, %swap3A_4], %swap3A_7 {strides = array<i32>} : memref<16x128xf32, #tpu.memory_space<vmem>>, vector<16x128xf32>,
    %scan3A = arith.constant 0 : i32
    %scan3A_8 = arith.constant 0 : i32
    %scan3A_9 = arith.constant 40 : i32
    %scan3A_10 = arith.addi %scan3A_8, %scan3A_9 : i32
    %scan3A_11 = arith.constant 1 : i32
    %scan3A_12 = scf.for %scan3A_54 = %scan3A_8 to %scan3A_10 step %scan3A_11 iter_args(%scan3A_55 = %scan3A) -> (i32)  : i32 {
      %mul3A_56 = arith.constant 640 : i32
      %mul3A_57 = arith.muli %arg1, %mul3A_56 : i32
      %mul3A_58 = arith.constant 16 : i32
      %mul3A_59 = arith.muli %scan3A_54, %mul3A_58 : i32
      %add3A_60 = arith.addi %mul3A_57, %mul3A_59 : i32
      "tpu.region"() ({
        %run_scoped3A = tpu.sem_alloc : memref<!tpu.dma_semaphore, #tpu.memory_space<semaphore_mem>>
        %dma_start3A_62 = arith.constant 0 : i32
        %dma_start3A_63 = tpu.memref_slice %arg7[%add3A_60, %dma_start3A_62] : memref<10240x128xf32, #tpu.memory_space<vmem_shared>> -> memref<16x128xf32, #tpu.memory_space<vmem_shared>>
        %dma_start3A_64 = arith.constant 0 : i32
        %dma_start3A_65 = tpu.memref_slice %arg7[%add3A_60, %dma_start3A_64] : memref<10240x128xf32, #tpu.memory_space<vmem_shared>> -> memref<16x128xf32, #tpu.memory_space<vmem_shared>>
        tpu.enqueue_dma source(%arg11 : memref<16x128xf32, #tpu.memory_space<vmem>>) target(%dma_start3A_65 : memref<16x128xf32, #tpu.memory_space<vmem_shared>>) target_semaphore(%run_scoped3A : memref<!tpu.dma_semaphore, #tpu.memory_space<semaphore_mem>>)
        %dma_wait3A = arith.constant 0 : i32
        %dma_wait3A_66 = tpu.memref_slice %arg7[%add3A_60, %dma_wait3A] : memref<10240x128xf32, #tpu.memory_space<vmem_shared>> -> memref<16x128xf32, #tpu.memory_space<vmem_shared>>
        %dma_wait3A_67 = arith.constant 0 : i32
        %dma_wait3A_68 = tpu.memref_slice %arg7[%add3A_60, %dma_wait3A_67] : memref<10240x128xf32, #tpu.memory_space<vmem_shared>> -> memref<16x128xf32, #tpu.memory_space<vmem_shared>>
        tpu.wait_dma2 semaphore(%run_scoped3A : memref<!tpu.dma_semaphore, #tpu.memory_space<semaphore_mem>>) src(%arg11 : memref<16x128xf32, #tpu.memory_space<vmem>>) dst(%dma_wait3A_68 : memref<16x128xf32, #tpu.memory_space<vmem_shared>>)
        tpu.yield
      }) : () -> ()
      %scan3A_61 = arith.constant 0 : i32
      scf.yield %scan3A_61 : i32
    }
    %scan3A_13 = arith.constant 40 : i32
    %dma_start3A = arith.constant 0 : i32
    %dma_start3A_14 = arith.constant 0 : i32
    %dma_start3A_15 = arith.constant 0 : i32
    %dma_start3A_16 = tpu.memref_slice %arg8[%dma_start3A, %dma_start3A_14, %dma_start3A_15] : memref<2x32x64xi32, #tpu.memory_space<vmem>> -> memref<1x32x64xi32, #tpu.memory_space<vmem>>
    %dma_start3A_17 = tpu.memref_squeeze %dma_start3A_16 : memref<1x32x64xi32, #tpu.memory_space<vmem>> -> memref<32x64xi32, #tpu.memory_space<vmem>>
    %dma_start3A_18 = arith.constant 0 : i32
    %dma_start3A_19 = tpu.memref_slice %arg3[%mul3A_2, %dma_start3A_18] : memref<5120x64xi32, #tpu.memory_space<hbm>> -> memref<32x64xi32, #tpu.memory_space<hbm>>
    %dma_start3A_20 = arith.constant 0 : i32
    %dma_start3A_21 = arith.constant 0 : i32
    %dma_start3A_22 = tpu.memref_slice %arg8[%dma_start3A, %dma_start3A_20, %dma_start3A_21] : memref<2x32x64xi32, #tpu.memory_space<vmem>> -> memref<1x32x64xi32, #tpu.memory_space<vmem>>
    %dma_start3A_23 = tpu.memref_squeeze %dma_start3A_22 : memref<1x32x64xi32, #tpu.memory_space<vmem>> -> memref<32x64xi32, #tpu.memory_space<vmem>>
    %dma_start3A_24 = arith.constant 0 : i32
    %dma_start3A_25 = tpu.memref_slice %arg3[%mul3A_2, %dma_start3A_24] : memref<5120x64xi32, #tpu.memory_space<hbm>> -> memref<32x64xi32, #tpu.memory_space<hbm>>
    tpu.enqueue_dma source(%dma_start3A_25 : memref<32x64xi32, #tpu.memory_space<hbm>>) target(%dma_start3A_23 : memref<32x64xi32, #tpu.memory_space<vmem>>) target_semaphore(%arg14 : memref<!tpu.dma_semaphore, #tpu.memory_space<semaphore_mem>>)
    %dma_start3A_26 = arith.constant 0 : i32
    %dma_start3A_27 = arith.constant 0 : i32
    %dma_start3A_28 = arith.constant 0 : i32
    %dma_start3A_29 = tpu.memref_slice %arg9[%dma_start3A_26, %dma_start3A_27, %dma_start3A_28] : memref<2x32x64xi32, #tpu.memory_space<vmem>> -> memref<1x32x64xi32, #tpu.memory_space<vmem>>
    %dma_start3A_30 = tpu.memref_squeeze %dma_start3A_29 : memref<1x32x64xi32, #tpu.memory_space<vmem>> -> memref<32x64xi32, #tpu.memory_space<vmem>>
    %dma_start3A_31 = arith.constant 0 : i32
    %dma_start3A_32 = tpu.memref_slice %arg4[%mul3A_2, %dma_start3A_31] : memref<5120x64xi32, #tpu.memory_space<hbm>> -> memref<32x64xi32, #tpu.memory_space<hbm>>
    %dma_start3A_33 = arith.constant 0 : i32
    %dma_start3A_34 = arith.constant 0 : i32
    %dma_start3A_35 = tpu.memref_slice %arg9[%dma_start3A_26, %dma_start3A_33, %dma_start3A_34] : memref<2x32x64xi32, #tpu.memory_space<vmem>> -> memref<1x32x64xi32, #tpu.memory_space<vmem>>
    %dma_start3A_36 = tpu.memref_squeeze %dma_start3A_35 : memref<1x32x64xi32, #tpu.memory_space<vmem>> -> memref<32x64xi32, #tpu.memory_space<vmem>>
    %dma_start3A_37 = arith.constant 0 : i32
    %dma_start3A_38 = tpu.memref_slice %arg4[%mul3A_2, %dma_start3A_37] : memref<5120x64xi32, #tpu.memory_space<hbm>> -> memref<32x64xi32, #tpu.memory_space<hbm>>
    tpu.enqueue_dma source(%dma_start3A_38 : memref<32x64xi32, #tpu.memory_space<hbm>>) target(%dma_start3A_36 : memref<32x64xi32, #tpu.memory_space<vmem>>) target_semaphore(%arg15 : memref<!tpu.dma_semaphore, #tpu.memory_space<semaphore_mem>>)
    %barrier3A = arith.constant 0 : index
    tpu.barrier barrier_id(%barrier3A)
    %scan3A_39 = arith.constant 0 : i32
    %scan3A_40 = arith.constant 0 : i32
    %scan3A_41 = arith.constant 162 : i32
    %scan3A_42 = arith.addi %scan3A_40, %scan3A_41 : i32
    %scan3A_43 = arith.constant 1 : i32
    %scan3A_44 = scf.for %scan3A_54 = %scan3A_40 to %scan3A_42 step %scan3A_43 iter_args(%scan3A_55 = %scan3A_39) -> (i32)  : i32 {
      %div3A = arith.constant 32 : i32
      %div3A_56 = arith.divsi %scan3A_54, %div3A : i32
      %rem3A = arith.constant 32 : i32
      %rem3A_57 = arith.remsi %scan3A_54, %rem3A : i32
      %rem3A_58 = arith.constant 2 : i32
      %rem3A_59 = arith.remsi %div3A_56, %rem3A_58 : i32
      %rem3A_60 = arith.constant 2 : i32
      %rem3A_61 = arith.remsi %scan3A_54, %rem3A_60 : i32
      %sub3A = arith.constant 1 : i32
      %sub3A_62 = arith.subi %scan3A_54, %sub3A : i32
      %add3A_63 = arith.constant 2 : i32
      %add3A_64 = arith.addi %sub3A_62, %add3A_63 : i32
      %rem3A_65 = arith.constant 2 : i32
      %rem3A_66 = arith.remsi %add3A_64, %rem3A_65 : i32
      %add3A_67 = arith.constant 32 : i32
      %add3A_68 = arith.addi %sub3A_62, %add3A_67 : i32
      %div3A_69 = arith.constant 32 : i32
      %div3A_70 = arith.divsi %add3A_68, %div3A_69 : i32
      %sub3A_71 = arith.constant 1 : i32
      %sub3A_72 = arith.subi %div3A_70, %sub3A_71 : i32
      %mul3A_73 = arith.constant 32 : i32
      %mul3A_74 = arith.muli %sub3A_72, %mul3A_73 : i32
      %sub3A_75 = arith.subi %sub3A_62, %mul3A_74 : i32
      %add3A_76 = arith.constant 2 : i32
      %add3A_77 = arith.addi %sub3A_72, %add3A_76 : i32
      %rem3A_78 = arith.constant 2 : i32
      %rem3A_79 = arith.remsi %add3A_77, %rem3A_78 : i32
      %ge3A = arith.constant 2 : i32
      %ge3A_80 = arith.cmpi sge, %scan3A_54, %ge3A : i32
      %convert_element_type3A_81 = arith.extui %ge3A_80 : i1 to i32
      %cond3A_82 = arith.constant 0 : i32
      %cond3A_83 = arith.cmpi ne, %convert_element_type3A_81, %cond3A_82 : i32
      scf.if %cond3A_83 {
        %dma_wait3A = arith.constant 0 : i32
        %dma_wait3A_114 = arith.constant 0 : i32
        %dma_wait3A_115 = arith.constant 0 : i32
        %dma_wait3A_116 = arith.constant 0 : i32
        %dma_wait3A_117 = tpu.memref_slice %arg10[%rem3A_61, %dma_wait3A_115, %dma_wait3A_116] : memref<2x64x128xf32, #tpu.memory_space<vmem>> -> memref<1x64x128xf32, #tpu.memory_space<vmem>>
        %dma_wait3A_118 = tpu.memref_squeeze %dma_wait3A_117 : memref<1x64x128xf32, #tpu.memory_space<vmem>> -> memref<64x128xf32, #tpu.memory_space<vmem>>
        %dma_wait3A_119 = arith.constant 0 : i32
        %dma_wait3A_120 = tpu.memref_slice %arg9[%dma_wait3A, %dma_wait3A_114, %dma_wait3A_119] : memref<2x32x64xi32, #tpu.memory_space<vmem>> -> memref<1x1x64xi32, #tpu.memory_space<vmem>>
        %dma_wait3A_121 = tpu.memref_squeeze %dma_wait3A_120 : memref<1x1x64xi32, #tpu.memory_space<vmem>> -> memref<64xi32, #tpu.memory_space<vmem>>
        %dma_wait3A_122 = arith.constant 0 : i32
        %dma_wait3A_123 = arith.constant 0 : i32
        %dma_wait3A_124 = tpu.memref_slice %arg7[%dma_wait3A_122, %dma_wait3A_123] : memref<10240x128xf32, #tpu.memory_space<vmem_shared>> -> memref<10240x128xf32, #tpu.memory_space<vmem_shared>>
        %dma_wait3A_125 = tpu.memref_slice %arg13[%rem3A_61] : memref<2x!tpu.dma_semaphore, #tpu.memory_space<semaphore_mem>> -> memref<1x!tpu.dma_semaphore, #tpu.memory_space<semaphore_mem>>
        %dma_wait3A_126 = tpu.memref_squeeze %dma_wait3A_125 : memref<1x!tpu.dma_semaphore, #tpu.memory_space<semaphore_mem>> -> memref<!tpu.dma_semaphore, #tpu.memory_space<semaphore_mem>>
        tpu.wait_indirect_dma semaphore(%dma_wait3A_126 : memref<!tpu.dma_semaphore, #tpu.memory_space<semaphore_mem>>) src(%dma_wait3A_118 : memref<64x128xf32, #tpu.memory_space<vmem>>) dst(%dma_wait3A_124 : memref<10240x128xf32, #tpu.memory_space<vmem_shared>>)
      } else {
      }
      %eq3A_84 = arith.constant 0 : i32
      %eq3A_85 = arith.cmpi eq, %rem3A_57, %eq3A_84 : i32
      %lt3A = arith.constant 160 : i32
      %lt3A_86 = arith.cmpi slt, %scan3A_54, %lt3A : i32
      %and3A = arith.andi %eq3A_85, %lt3A_86 : i1
      %convert_element_type3A_87 = arith.extui %and3A : i1 to i32
      %cond3A_88 = arith.constant 0 : i32
      %cond3A_89 = arith.cmpi ne, %convert_element_type3A_87, %cond3A_88 : i32
      scf.if %cond3A_89 {
        %dma_wait3A = arith.constant 0 : i32
        %dma_wait3A_114 = arith.constant 0 : i32
        %dma_wait3A_115 = arith.constant 0 : i32
        %dma_wait3A_116 = tpu.memref_slice %arg8[%dma_wait3A, %dma_wait3A_114, %dma_wait3A_115] : memref<2x32x64xi32, #tpu.memory_space<vmem>> -> memref<1x32x64xi32, #tpu.memory_space<vmem>>
        %dma_wait3A_117 = tpu.memref_squeeze %dma_wait3A_116 : memref<1x32x64xi32, #tpu.memory_space<vmem>> -> memref<32x64xi32, #tpu.memory_space<vmem>>
        %dma_wait3A_118 = arith.constant 0 : i32
        %dma_wait3A_119 = tpu.memref_slice %arg3[%mul3A_2, %dma_wait3A_118] : memref<5120x64xi32, #tpu.memory_space<hbm>> -> memref<32x64xi32, #tpu.memory_space<hbm>>
        %dma_wait3A_120 = arith.constant 0 : i32
        %dma_wait3A_121 = arith.constant 0 : i32
        %dma_wait3A_122 = tpu.memref_slice %arg8[%dma_wait3A, %dma_wait3A_120, %dma_wait3A_121] : memref<2x32x64xi32, #tpu.memory_space<vmem>> -> memref<1x32x64xi32, #tpu.memory_space<vmem>>
        %dma_wait3A_123 = tpu.memref_squeeze %dma_wait3A_122 : memref<1x32x64xi32, #tpu.memory_space<vmem>> -> memref<32x64xi32, #tpu.memory_space<vmem>>
        %dma_wait3A_124 = arith.constant 0 : i32
        %dma_wait3A_125 = tpu.memref_slice %arg3[%mul3A_2, %dma_wait3A_124] : memref<5120x64xi32, #tpu.memory_space<hbm>> -> memref<32x64xi32, #tpu.memory_space<hbm>>
        tpu.wait_dma2 semaphore(%arg14 : memref<!tpu.dma_semaphore, #tpu.memory_space<semaphore_mem>>) src(%dma_wait3A_125 : memref<32x64xi32, #tpu.memory_space<hbm>>) dst(%dma_wait3A_123 : memref<32x64xi32, #tpu.memory_space<vmem>>)
        %dma_wait3A_126 = arith.constant 0 : i32
        %dma_wait3A_127 = arith.constant 0 : i32
        %dma_wait3A_128 = arith.constant 0 : i32
        %dma_wait3A_129 = tpu.memref_slice %arg9[%dma_wait3A_126, %dma_wait3A_127, %dma_wait3A_128] : memref<2x32x64xi32, #tpu.memory_space<vmem>> -> memref<1x32x64xi32, #tpu.memory_space<vmem>>
        %dma_wait3A_130 = tpu.memref_squeeze %dma_wait3A_129 : memref<1x32x64xi32, #tpu.memory_space<vmem>> -> memref<32x64xi32, #tpu.memory_space<vmem>>
        %dma_wait3A_131 = arith.constant 0 : i32
        %dma_wait3A_132 = tpu.memref_slice %arg4[%mul3A_2, %dma_wait3A_131] : memref<5120x64xi32, #tpu.memory_space<hbm>> -> memref<32x64xi32, #tpu.memory_space<hbm>>
        %dma_wait3A_133 = arith.constant 0 : i32
        %dma_wait3A_134 = arith.constant 0 : i32
        %dma_wait3A_135 = tpu.memref_slice %arg9[%dma_wait3A_126, %dma_wait3A_133, %dma_wait3A_134] : memref<2x32x64xi32, #tpu.memory_space<vmem>> -> memref<1x32x64xi32, #tpu.memory_space<vmem>>
        %dma_wait3A_136 = tpu.memref_squeeze %dma_wait3A_135 : memref<1x32x64xi32, #tpu.memory_space<vmem>> -> memref<32x64xi32, #tpu.memory_space<vmem>>
        %dma_wait3A_137 = arith.constant 0 : i32
        %dma_wait3A_138 = tpu.memref_slice %arg4[%mul3A_2, %dma_wait3A_137] : memref<5120x64xi32, #tpu.memory_space<hbm>> -> memref<32x64xi32, #tpu.memory_space<hbm>>
        tpu.wait_dma2 semaphore(%arg15 : memref<!tpu.dma_semaphore, #tpu.memory_space<semaphore_mem>>) src(%dma_wait3A_138 : memref<32x64xi32, #tpu.memory_space<hbm>>) dst(%dma_wait3A_136 : memref<32x64xi32, #tpu.memory_space<vmem>>)
      } else {
      }
      %eq3A_90 = arith.constant 2 : i32
      %eq3A_91 = arith.cmpi eq, %rem3A_57, %eq3A_90 : i32
      %add3A_92 = arith.constant 32 : i32
      %add3A_93 = arith.addi %scan3A_54, %add3A_92 : i32
      %lt3A_94 = arith.constant 160 : i32
      %lt3A_95 = arith.cmpi slt, %add3A_93, %lt3A_94 : i32
      %and3A_96 = arith.andi %eq3A_91, %lt3A_95 : i1
      %convert_element_type3A_97 = arith.extui %and3A_96 : i1 to i32
      %cond3A_98 = arith.constant 0 : i32
      %cond3A_99 = arith.cmpi ne, %convert_element_type3A_97, %cond3A_98 : i32
      scf.if %cond3A_99 {
        %add3A_114 = arith.constant 1 : i32
        %add3A_115 = arith.addi %div3A_56, %add3A_114 : i32
        %mul3A_116 = arith.constant 32 : i32
        %mul3A_117 = arith.muli %add3A_115, %mul3A_116 : i32
        %add3A_118 = arith.addi %mul3A_2, %mul3A_117 : i32
        %add3A_119 = arith.constant 1 : i32
        %add3A_120 = arith.addi %div3A_56, %add3A_119 : i32
        %rem3A_121 = arith.constant 2 : i32
        %rem3A_122 = arith.remsi %add3A_120, %rem3A_121 : i32
        %dma_start3A_123 = arith.constant 0 : i32
        %dma_start3A_124 = arith.constant 0 : i32
        %dma_start3A_125 = tpu.memref_slice %arg8[%rem3A_122, %dma_start3A_123, %dma_start3A_124] : memref<2x32x64xi32, #tpu.memory_space<vmem>> -> memref<1x32x64xi32, #tpu.memory_space<vmem>>
        %dma_start3A_126 = tpu.memref_squeeze %dma_start3A_125 : memref<1x32x64xi32, #tpu.memory_space<vmem>> -> memref<32x64xi32, #tpu.memory_space<vmem>>
        %dma_start3A_127 = arith.constant 0 : i32
        %dma_start3A_128 = tpu.memref_slice %arg3[%add3A_118, %dma_start3A_127] : memref<5120x64xi32, #tpu.memory_space<hbm>> -> memref<32x64xi32, #tpu.memory_space<hbm>>
        %dma_start3A_129 = arith.constant 0 : i32
        %dma_start3A_130 = arith.constant 0 : i32
        %dma_start3A_131 = tpu.memref_slice %arg8[%rem3A_122, %dma_start3A_129, %dma_start3A_130] : memref<2x32x64xi32, #tpu.memory_space<vmem>> -> memref<1x32x64xi32, #tpu.memory_space<vmem>>
        %dma_start3A_132 = tpu.memref_squeeze %dma_start3A_131 : memref<1x32x64xi32, #tpu.memory_space<vmem>> -> memref<32x64xi32, #tpu.memory_space<vmem>>
        %dma_start3A_133 = arith.constant 0 : i32
        %dma_start3A_134 = tpu.memref_slice %arg3[%add3A_118, %dma_start3A_133] : memref<5120x64xi32, #tpu.memory_space<hbm>> -> memref<32x64xi32, #tpu.memory_space<hbm>>
        tpu.enqueue_dma source(%dma_start3A_134 : memref<32x64xi32, #tpu.memory_space<hbm>>) target(%dma_start3A_132 : memref<32x64xi32, #tpu.memory_space<vmem>>) target_semaphore(%arg14 : memref<!tpu.dma_semaphore, #tpu.memory_space<semaphore_mem>>)
        %add3A_135 = arith.constant 1 : i32
        %add3A_136 = arith.addi %div3A_56, %add3A_135 : i32
        %rem3A_137 = arith.constant 2 : i32
        %rem3A_138 = arith.remsi %add3A_136, %rem3A_137 : i32
        %dma_start3A_139 = arith.constant 0 : i32
        %dma_start3A_140 = arith.constant 0 : i32
        %dma_start3A_141 = tpu.memref_slice %arg9[%rem3A_138, %dma_start3A_139, %dma_start3A_140] : memref<2x32x64xi32, #tpu.memory_space<vmem>> -> memref<1x32x64xi32, #tpu.memory_space<vmem>>
        %dma_start3A_142 = tpu.memref_squeeze %dma_start3A_141 : memref<1x32x64xi32, #tpu.memory_space<vmem>> -> memref<32x64xi32, #tpu.memory_space<vmem>>
        %dma_start3A_143 = arith.constant 0 : i32
        %dma_start3A_144 = tpu.memref_slice %arg4[%add3A_118, %dma_start3A_143] : memref<5120x64xi32, #tpu.memory_space<hbm>> -> memref<32x64xi32, #tpu.memory_space<hbm>>
        %dma_start3A_145 = arith.constant 0 : i32
        %dma_start3A_146 = arith.constant 0 : i32
        %dma_start3A_147 = tpu.memref_slice %arg9[%rem3A_138, %dma_start3A_145, %dma_start3A_146] : memref<2x32x64xi32, #tpu.memory_space<vmem>> -> memref<1x32x64xi32, #tpu.memory_space<vmem>>
        %dma_start3A_148 = tpu.memref_squeeze %dma_start3A_147 : memref<1x32x64xi32, #tpu.memory_space<vmem>> -> memref<32x64xi32, #tpu.memory_space<vmem>>
        %dma_start3A_149 = arith.constant 0 : i32
        %dma_start3A_150 = tpu.memref_slice %arg4[%add3A_118, %dma_start3A_149] : memref<5120x64xi32, #tpu.memory_space<hbm>> -> memref<32x64xi32, #tpu.memory_space<hbm>>
        tpu.enqueue_dma source(%dma_start3A_150 : memref<32x64xi32, #tpu.memory_space<hbm>>) target(%dma_start3A_148 : memref<32x64xi32, #tpu.memory_space<vmem>>) target_semaphore(%arg15 : memref<!tpu.dma_semaphore, #tpu.memory_space<semaphore_mem>>)
      } else {
      }
      %lt3A_100 = arith.constant 160 : i32
      %lt3A_101 = arith.cmpi slt, %scan3A_54, %lt3A_100 : i32
      %convert_element_type3A_102 = arith.extui %lt3A_101 : i1 to i32
      %cond3A_103 = arith.constant 0 : i32
      %cond3A_104 = arith.cmpi ne, %convert_element_type3A_102, %cond3A_103 : i32
      scf.if %cond3A_104 {
        %dma_start3A_114 = arith.constant 0 : i32
        %dma_start3A_115 = arith.constant 0 : i32
        %dma_start3A_116 = tpu.memref_slice %arg10[%rem3A_61, %dma_start3A_114, %dma_start3A_115] : memref<2x64x128xf32, #tpu.memory_space<vmem>> -> memref<1x64x128xf32, #tpu.memory_space<vmem>>
        %dma_start3A_117 = tpu.memref_squeeze %dma_start3A_116 : memref<1x64x128xf32, #tpu.memory_space<vmem>> -> memref<64x128xf32, #tpu.memory_space<vmem>>
        %dma_start3A_118 = arith.constant 0 : i32
        %dma_start3A_119 = tpu.memref_slice %arg8[%rem3A_59, %rem3A_57, %dma_start3A_118] : memref<2x32x64xi32, #tpu.memory_space<vmem>> -> memref<1x1x64xi32, #tpu.memory_space<vmem>>
        %dma_start3A_120 = tpu.memref_squeeze %dma_start3A_119 : memref<1x1x64xi32, #tpu.memory_space<vmem>> -> memref<64xi32, #tpu.memory_space<vmem>>
        %dma_start3A_121 = arith.constant 0 : i32
        %dma_start3A_122 = arith.constant 0 : i32
        %dma_start3A_123 = tpu.memref_slice %arg2[%dma_start3A_121, %dma_start3A_122] : memref<10240x128xf32, #tpu.memory_space<hbm>> -> memref<10240x128xf32, #tpu.memory_space<hbm>>
        %dma_start3A_124 = tpu.memref_slice %arg12[%rem3A_61] : memref<2x!tpu.dma_semaphore, #tpu.memory_space<semaphore_mem>> -> memref<1x!tpu.dma_semaphore, #tpu.memory_space<semaphore_mem>>
        %dma_start3A_125 = tpu.memref_squeeze %dma_start3A_124 : memref<1x!tpu.dma_semaphore, #tpu.memory_space<semaphore_mem>> -> memref<!tpu.dma_semaphore, #tpu.memory_space<semaphore_mem>>
        tpu.enqueue_indirect_dma source(%dma_start3A_123 : memref<10240x128xf32, #tpu.memory_space<hbm>>) target(%dma_start3A_117 : memref<64x128xf32, #tpu.memory_space<vmem>>) offsets(%dma_start3A_120 : memref<64xi32, #tpu.memory_space<vmem>>) semaphore(%dma_start3A_125 : memref<!tpu.dma_semaphore, #tpu.memory_space<semaphore_mem>>)
      } else {
      }
      %ge3A_105 = arith.constant 0 : i32
      %ge3A_106 = arith.cmpi sge, %sub3A_62, %ge3A_105 : i32
      %lt3A_107 = arith.constant 160 : i32
      %lt3A_108 = arith.cmpi slt, %sub3A_62, %lt3A_107 : i32
      %and3A_109 = arith.andi %ge3A_106, %lt3A_108 : i1
      %convert_element_type3A_110 = arith.extui %and3A_109 : i1 to i32
      %cond3A_111 = arith.constant 0 : i32
      %cond3A_112 = arith.cmpi ne, %convert_element_type3A_110, %cond3A_111 : i32
      scf.if %cond3A_112 {
        %dma_wait3A = arith.constant 0 : i32
        %dma_wait3A_114 = arith.constant 0 : i32
        %dma_wait3A_115 = arith.constant 0 : i32
        %dma_wait3A_116 = arith.constant 0 : i32
        %dma_wait3A_117 = tpu.memref_slice %arg10[%rem3A_66, %dma_wait3A_115, %dma_wait3A_116] : memref<2x64x128xf32, #tpu.memory_space<vmem>> -> memref<1x64x128xf32, #tpu.memory_space<vmem>>
        %dma_wait3A_118 = tpu.memref_squeeze %dma_wait3A_117 : memref<1x64x128xf32, #tpu.memory_space<vmem>> -> memref<64x128xf32, #tpu.memory_space<vmem>>
        %dma_wait3A_119 = arith.constant 0 : i32
        %dma_wait3A_120 = tpu.memref_slice %arg8[%dma_wait3A, %dma_wait3A_114, %dma_wait3A_119] : memref<2x32x64xi32, #tpu.memory_space<vmem>> -> memref<1x1x64xi32, #tpu.memory_space<vmem>>
        %dma_wait3A_121 = tpu.memref_squeeze %dma_wait3A_120 : memref<1x1x64xi32, #tpu.memory_space<vmem>> -> memref<64xi32, #tpu.memory_space<vmem>>
        %dma_wait3A_122 = arith.constant 0 : i32
        %dma_wait3A_123 = arith.constant 0 : i32
        %dma_wait3A_124 = tpu.memref_slice %arg2[%dma_wait3A_122, %dma_wait3A_123] : memref<10240x128xf32, #tpu.memory_space<hbm>> -> memref<10240x128xf32, #tpu.memory_space<hbm>>
        %dma_wait3A_125 = tpu.memref_slice %arg12[%rem3A_66] : memref<2x!tpu.dma_semaphore, #tpu.memory_space<semaphore_mem>> -> memref<1x!tpu.dma_semaphore, #tpu.memory_space<semaphore_mem>>
        %dma_wait3A_126 = tpu.memref_squeeze %dma_wait3A_125 : memref<1x!tpu.dma_semaphore, #tpu.memory_space<semaphore_mem>> -> memref<!tpu.dma_semaphore, #tpu.memory_space<semaphore_mem>>
        tpu.wait_indirect_dma semaphore(%dma_wait3A_126 : memref<!tpu.dma_semaphore, #tpu.memory_space<semaphore_mem>>) src(%dma_wait3A_124 : memref<10240x128xf32, #tpu.memory_space<hbm>>) dst(%dma_wait3A_118 : memref<64x128xf32, #tpu.memory_space<vmem>>)
        %dma_start3A_127 = arith.constant 0 : i32
        %dma_start3A_128 = arith.constant 0 : i32
        %dma_start3A_129 = tpu.memref_slice %arg10[%rem3A_66, %dma_start3A_127, %dma_start3A_128] : memref<2x64x128xf32, #tpu.memory_space<vmem>> -> memref<1x64x128xf32, #tpu.memory_space<vmem>>
        %dma_start3A_130 = tpu.memref_squeeze %dma_start3A_129 : memref<1x64x128xf32, #tpu.memory_space<vmem>> -> memref<64x128xf32, #tpu.memory_space<vmem>>
        %dma_start3A_131 = arith.constant 0 : i32
        %dma_start3A_132 = tpu.memref_slice %arg9[%rem3A_79, %sub3A_75, %dma_start3A_131] : memref<2x32x64xi32, #tpu.memory_space<vmem>> -> memref<1x1x64xi32, #tpu.memory_space<vmem>>
        %dma_start3A_133 = tpu.memref_squeeze %dma_start3A_132 : memref<1x1x64xi32, #tpu.memory_space<vmem>> -> memref<64xi32, #tpu.memory_space<vmem>>
        %dma_start3A_134 = arith.constant 0 : i32
        %dma_start3A_135 = arith.constant 0 : i32
        %dma_start3A_136 = tpu.memref_slice %arg7[%dma_start3A_134, %dma_start3A_135] : memref<10240x128xf32, #tpu.memory_space<vmem_shared>> -> memref<10240x128xf32, #tpu.memory_space<vmem_shared>>
        %dma_start3A_137 = tpu.memref_slice %arg13[%rem3A_66] : memref<2x!tpu.dma_semaphore, #tpu.memory_space<semaphore_mem>> -> memref<1x!tpu.dma_semaphore, #tpu.memory_space<semaphore_mem>>
        %dma_start3A_138 = tpu.memref_squeeze %dma_start3A_137 : memref<1x!tpu.dma_semaphore, #tpu.memory_space<semaphore_mem>> -> memref<!tpu.dma_semaphore, #tpu.memory_space<semaphore_mem>>
        tpu.enqueue_indirect_dma source(%dma_start3A_130 : memref<64x128xf32, #tpu.memory_space<vmem>>) target(%dma_start3A_136 : memref<10240x128xf32, #tpu.memory_space<vmem_shared>>) offsets(%dma_start3A_133 : memref<64xi32, #tpu.memory_space<vmem>>) semaphore(%dma_start3A_138 : memref<!tpu.dma_semaphore, #tpu.memory_space<semaphore_mem>>) {add = true}
      } else {
      }
      %scan3A_113 = arith.constant 0 : i32
      scf.yield %scan3A_113 : i32
    }
    %scan3A_45 = arith.constant 162 : i32
    %barrier3A_46 = arith.constant 0 : index
    tpu.barrier barrier_id(%barrier3A_46)
    %eq3A = arith.constant 0 : i32
    %eq3A_47 = arith.cmpi eq, %arg0, %eq3A : i32
    %convert_element_type3A = arith.extui %eq3A_47 : i1 to i32
    %cond3A = arith.constant 0 : i32
    %cond3A_48 = arith.cmpi ne, %convert_element_type3A, %cond3A : i32
    scf.if %cond3A_48 {
      %mul3A_54 = arith.constant 640 : i32
      %mul3A_55 = arith.muli %arg1, %mul3A_54 : i32
      %mul3A_56 = arith.constant 640 : i32
      %mul3A_57 = arith.muli %arg1, %mul3A_56 : i32
      "tpu.region"() ({
        %run_scoped3A = tpu.sem_alloc : memref<!tpu.dma_semaphore, #tpu.memory_space<semaphore_mem>>
        %dma_start3A_58 = arith.constant 0 : i32
        %dma_start3A_59 = tpu.memref_slice %arg5[%mul3A_57, %dma_start3A_58] : memref<10240x128xf32, #tpu.memory_space<hbm>> -> memref<640x128xf32, #tpu.memory_space<hbm>>
        %dma_start3A_60 = arith.constant 0 : i32
        %dma_start3A_61 = tpu.memref_slice %arg7[%mul3A_55, %dma_start3A_60] : memref<10240x128xf32, #tpu.memory_space<vmem_shared>> -> memref<640x128xf32, #tpu.memory_space<vmem_shared>>
        tpu.enqueue_dma source(%dma_start3A_61 : memref<640x128xf32, #tpu.memory_space<vmem_shared>>) target(%dma_start3A_59 : memref<640x128xf32, #tpu.memory_space<hbm>>) target_semaphore(%run_scoped3A : memref<!tpu.dma_semaphore, #tpu.memory_space<semaphore_mem>>)
        %dma_wait3A = arith.constant 0 : i32
        %dma_wait3A_62 = tpu.memref_slice %arg5[%mul3A_57, %dma_wait3A] : memref<10240x128xf32, #tpu.memory_space<hbm>> -> memref<640x128xf32, #tpu.memory_space<hbm>>
        %dma_wait3A_63 = arith.constant 0 : i32
        %dma_wait3A_64 = tpu.memref_slice %arg7[%mul3A_55, %dma_wait3A_63] : memref<10240x128xf32, #tpu.memory_space<vmem_shared>> -> memref<640x128xf32, #tpu.memory_space<vmem_shared>>
        tpu.wait_dma2 semaphore(%run_scoped3A : memref<!tpu.dma_semaphore, #tpu.memory_space<semaphore_mem>>) src(%dma_wait3A_64 : memref<640x128xf32, #tpu.memory_space<vmem_shared>>) dst(%dma_wait3A_62 : memref<640x128xf32, #tpu.memory_space<hbm>>)
        tpu.yield
      }) : () -> ()
    } else {
    }
    %eq3A_49 = arith.constant 1 : i32
    %eq3A_50 = arith.cmpi eq, %arg0, %eq3A_49 : i32
    %convert_element_type3A_51 = arith.extui %eq3A_50 : i1 to i32
    %cond3A_52 = arith.constant 0 : i32
    %cond3A_53 = arith.cmpi ne, %convert_element_type3A_51, %cond3A_52 : i32
    scf.if %cond3A_53 {
      %mul3A_54 = arith.constant 640 : i32
      %mul3A_55 = arith.muli %arg1, %mul3A_54 : i32
      %mul3A_56 = arith.constant 640 : i32
      %mul3A_57 = arith.muli %arg1, %mul3A_56 : i32
      "tpu.region"() ({
        %run_scoped3A = tpu.sem_alloc : memref<!tpu.dma_semaphore, #tpu.memory_space<semaphore_mem>>
        %dma_start3A_58 = arith.constant 0 : i32
        %dma_start3A_59 = tpu.memref_slice %arg6[%mul3A_57, %dma_start3A_58] : memref<10240x128xf32, #tpu.memory_space<hbm>> -> memref<640x128xf32, #tpu.memory_space<hbm>>
        %dma_start3A_60 = arith.constant 0 : i32
        %dma_start3A_61 = tpu.memref_slice %arg7[%mul3A_55, %dma_start3A_60] : memref<10240x128xf32, #tpu.memory_space<vmem_shared>> -> memref<640x128xf32, #tpu.memory_space<vmem_shared>>
        tpu.enqueue_dma source(%dma_start3A_61 : memref<640x128xf32, #tpu.memory_space<vmem_shared>>) target(%dma_start3A_59 : memref<640x128xf32, #tpu.memory_space<hbm>>) target_semaphore(%run_scoped3A : memref<!tpu.dma_semaphore, #tpu.memory_space<semaphore_mem>>)
        %dma_wait3A = arith.constant 0 : i32
        %dma_wait3A_62 = tpu.memref_slice %arg6[%mul3A_57, %dma_wait3A] : memref<10240x128xf32, #tpu.memory_space<hbm>> -> memref<640x128xf32, #tpu.memory_space<hbm>>
        %dma_wait3A_63 = arith.constant 0 : i32
        %dma_wait3A_64 = tpu.memref_slice %arg7[%mul3A_55, %dma_wait3A_63] : memref<10240x128xf32, #tpu.memory_space<vmem_shared>> -> memref<640x128xf32, #tpu.memory_space<vmem_shared>>
        tpu.wait_dma2 semaphore(%run_scoped3A : memref<!tpu.dma_semaphore, #tpu.memory_space<semaphore_mem>>) src(%dma_wait3A_64 : memref<640x128xf32, #tpu.memory_space<vmem_shared>>) dst(%dma_wait3A_62 : memref<640x128xf32, #tpu.memory_space<hbm>>)
        tpu.yield
      }) : () -> ()
    } else {
    }
    return
  }
}

#map = affine_map<(d0, d1) -> (0, 0)>
#map1 = affine_map<(d0, d1) -> (0)>
module attributes {stable_mosaic.version = 14 : i64} {
  func.func @_sc_degree(%arg0: i32, %arg1: i32, %arg2: memref<5120x64xi32, #tpu.memory_space<hbm>>, %arg3: memref<20480xf32, #tpu.memory_space<hbm>>, %arg4: memref<10240xf32, #tpu.memory_space<vmem_shared>>, %arg5: memref<160x64xi32, #tpu.memory_space<vmem>>, %arg6: memref<64xf32, #tpu.memory_space<vmem>>, %arg7: memref<640xf32, #tpu.memory_space<vmem>>, %arg8: memref<!tpu.dma_semaphore, #tpu.memory_space<semaphore_mem>>) attributes {dimension_semantics = [#tpu.dimension_semantics<core_parallel>, #tpu.dimension_semantics<subcore_parallel>], iteration_bounds = array<i64: 2, 16>, scalar_prefetch = 0 : i64, scratch_operands = 5 : i64, tpu.core_type = #tpu.core_type<sc_vector_subcore>, window_params = [{transform_indices = #map}, {transform_indices = #map1}]} {
    %mul3A = arith.constant 16 : i32
    %mul3A_0 = arith.muli %arg0, %mul3A : i32
    %add3A = arith.addi %mul3A_0, %arg1 : i32
    %scan3A = arith.constant 0 : i32
    %scan3A_1 = arith.constant 0 : i32
    %scan3A_2 = arith.constant 40 : i32
    %scan3A_3 = arith.addi %scan3A_1, %scan3A_2 : i32
    %scan3A_4 = arith.constant 1 : i32
    %scan3A_5 = scf.for %scan3A_35 = %scan3A_1 to %scan3A_3 step %scan3A_4 iter_args(%scan3A_36 = %scan3A) -> (i32)  : i32 {
      %broadcast_in_dim3A = arith.constant 0.000000e+00 : f32
      %broadcast_in_dim3A_37 = vector.broadcast %broadcast_in_dim3A : f32 to vector<16xf32>
      %mul3A_38 = arith.constant 16 : i32
      %mul3A_39 = arith.muli %scan3A_35, %mul3A_38 : i32
      %swap3A = arith.index_cast %mul3A_39 : i32 to index
      %swap3A_40 = tpu.vector_load %arg7[%swap3A] {strides = array<i32>} : memref<640xf32, #tpu.memory_space<vmem>>, vector<16xf32>,
      %swap3A_41 = vector.shape_cast %swap3A_40 : vector<16xf32> to vector<16xf32>
      %swap3A_42 = vector.shape_cast %broadcast_in_dim3A_37 : vector<16xf32> to vector<16xf32>
      tpu.vector_store %arg7[%swap3A], %swap3A_42 {strides = array<i32>} : memref<640xf32, #tpu.memory_space<vmem>>, vector<16xf32>,
      %scan3A_43 = arith.constant 0 : i32
      scf.yield %scan3A_43 : i32
    }
    %scan3A_6 = arith.constant 40 : i32
    %scan3A_7 = arith.constant 0 : i32
    %scan3A_8 = arith.constant 0 : i32
    %scan3A_9 = arith.constant 4 : i32
    %scan3A_10 = arith.addi %scan3A_8, %scan3A_9 : i32
    %scan3A_11 = arith.constant 1 : i32
    %scan3A_12 = scf.for %scan3A_35 = %scan3A_8 to %scan3A_10 step %scan3A_11 iter_args(%scan3A_36 = %scan3A_7) -> (i32)  : i32 {
      %broadcast_in_dim3A = arith.constant 1.000000e+00 : f32
      %broadcast_in_dim3A_37 = vector.broadcast %broadcast_in_dim3A : f32 to vector<16xf32>
      %mul3A_38 = arith.constant 16 : i32
      %mul3A_39 = arith.muli %scan3A_35, %mul3A_38 : i32
      %swap3A = arith.index_cast %mul3A_39 : i32 to index
      %swap3A_40 = tpu.vector_load %arg6[%swap3A] {strides = array<i32>} : memref<64xf32, #tpu.memory_space<vmem>>, vector<16xf32>,
      %swap3A_41 = vector.shape_cast %swap3A_40 : vector<16xf32> to vector<16xf32>
      %swap3A_42 = vector.shape_cast %broadcast_in_dim3A_37 : vector<16xf32> to vector<16xf32>
      tpu.vector_store %arg6[%swap3A], %swap3A_42 {strides = array<i32>} : memref<64xf32, #tpu.memory_space<vmem>>, vector<16xf32>,
      %scan3A_43 = arith.constant 0 : i32
      scf.yield %scan3A_43 : i32
    }
    %scan3A_13 = arith.constant 4 : i32
    %mul3A_14 = arith.constant 160 : i32
    %mul3A_15 = arith.muli %add3A, %mul3A_14 : i32
    "tpu.region"() ({
      %run_scoped3A = tpu.sem_alloc : memref<!tpu.dma_semaphore, #tpu.memory_space<semaphore_mem>>
      %dma_start3A = arith.constant 0 : i32
      %dma_start3A_35 = tpu.memref_slice %arg2[%mul3A_15, %dma_start3A] : memref<5120x64xi32, #tpu.memory_space<hbm>> -> memref<160x64xi32, #tpu.memory_space<hbm>>
      %dma_start3A_36 = arith.constant 0 : i32
      %dma_start3A_37 = tpu.memref_slice %arg2[%mul3A_15, %dma_start3A_36] : memref<5120x64xi32, #tpu.memory_space<hbm>> -> memref<160x64xi32, #tpu.memory_space<hbm>>
      tpu.enqueue_dma source(%dma_start3A_37 : memref<160x64xi32, #tpu.memory_space<hbm>>) target(%arg5 : memref<160x64xi32, #tpu.memory_space<vmem>>) target_semaphore(%run_scoped3A : memref<!tpu.dma_semaphore, #tpu.memory_space<semaphore_mem>>)
      %dma_wait3A = arith.constant 0 : i32
      %dma_wait3A_38 = tpu.memref_slice %arg2[%mul3A_15, %dma_wait3A] : memref<5120x64xi32, #tpu.memory_space<hbm>> -> memref<160x64xi32, #tpu.memory_space<hbm>>
      %dma_wait3A_39 = arith.constant 0 : i32
      %dma_wait3A_40 = tpu.memref_slice %arg2[%mul3A_15, %dma_wait3A_39] : memref<5120x64xi32, #tpu.memory_space<hbm>> -> memref<160x64xi32, #tpu.memory_space<hbm>>
      tpu.wait_dma2 semaphore(%run_scoped3A : memref<!tpu.dma_semaphore, #tpu.memory_space<semaphore_mem>>) src(%dma_wait3A_40 : memref<160x64xi32, #tpu.memory_space<hbm>>) dst(%arg5 : memref<160x64xi32, #tpu.memory_space<vmem>>)
      tpu.yield
    }) : () -> ()
    %mul3A_16 = arith.constant 640 : i32
    %mul3A_17 = arith.muli %arg1, %mul3A_16 : i32
    "tpu.region"() ({
      %run_scoped3A = tpu.sem_alloc : memref<!tpu.dma_semaphore, #tpu.memory_space<semaphore_mem>>
      %dma_start3A = tpu.memref_slice %arg4[%mul3A_17] : memref<10240xf32, #tpu.memory_space<vmem_shared>> -> memref<640xf32, #tpu.memory_space<vmem_shared>>
      %dma_start3A_35 = tpu.memref_slice %arg4[%mul3A_17] : memref<10240xf32, #tpu.memory_space<vmem_shared>> -> memref<640xf32, #tpu.memory_space<vmem_shared>>
      tpu.enqueue_dma source(%arg7 : memref<640xf32, #tpu.memory_space<vmem>>) target(%dma_start3A_35 : memref<640xf32, #tpu.memory_space<vmem_shared>>) target_semaphore(%run_scoped3A : memref<!tpu.dma_semaphore, #tpu.memory_space<semaphore_mem>>)
      %dma_wait3A = tpu.memref_slice %arg4[%mul3A_17] : memref<10240xf32, #tpu.memory_space<vmem_shared>> -> memref<640xf32, #tpu.memory_space<vmem_shared>>
      %dma_wait3A_36 = tpu.memref_slice %arg4[%mul3A_17] : memref<10240xf32, #tpu.memory_space<vmem_shared>> -> memref<640xf32, #tpu.memory_space<vmem_shared>>
      tpu.wait_dma2 semaphore(%run_scoped3A : memref<!tpu.dma_semaphore, #tpu.memory_space<semaphore_mem>>) src(%arg7 : memref<640xf32, #tpu.memory_space<vmem>>) dst(%dma_wait3A_36 : memref<640xf32, #tpu.memory_space<vmem_shared>>)
      tpu.yield
    }) : () -> ()
    %barrier3A = arith.constant 0 : index
    tpu.barrier barrier_id(%barrier3A)
    %scan3A_18 = arith.constant 0 : i32
    %scan3A_19 = arith.constant 0 : i32
    %scan3A_20 = arith.constant 160 : i32
    %scan3A_21 = arith.addi %scan3A_19, %scan3A_20 : i32
    %scan3A_22 = arith.constant 1 : i32
    %scan3A_23 = scf.for %scan3A_35 = %scan3A_19 to %scan3A_21 step %scan3A_22 iter_args(%scan3A_36 = %scan3A_18) -> (i32)  : i32 {
      %dma_start3A = arith.constant 0 : i32
      %dma_start3A_37 = tpu.memref_slice %arg5[%scan3A_35, %dma_start3A] : memref<160x64xi32, #tpu.memory_space<vmem>> -> memref<1x64xi32, #tpu.memory_space<vmem>>
      %dma_start3A_38 = tpu.memref_squeeze %dma_start3A_37 : memref<1x64xi32, #tpu.memory_space<vmem>> -> memref<64xi32, #tpu.memory_space<vmem>>
      %dma_start3A_39 = arith.constant 0 : i32
      %dma_start3A_40 = tpu.memref_slice %arg4[%dma_start3A_39] : memref<10240xf32, #tpu.memory_space<vmem_shared>> -> memref<10240xf32, #tpu.memory_space<vmem_shared>>
      tpu.enqueue_indirect_dma source(%arg6 : memref<64xf32, #tpu.memory_space<vmem>>) target(%dma_start3A_40 : memref<10240xf32, #tpu.memory_space<vmem_shared>>) offsets(%dma_start3A_38 : memref<64xi32, #tpu.memory_space<vmem>>) semaphore(%arg8 : memref<!tpu.dma_semaphore, #tpu.memory_space<semaphore_mem>>) {add = true}
      %scan3A_41 = arith.constant 0 : i32
      scf.yield %scan3A_41 : i32
    }
    %scan3A_24 = arith.constant 160 : i32
    %scan3A_25 = arith.constant 0 : i32
    %scan3A_26 = arith.constant 0 : i32
    %scan3A_27 = arith.constant 160 : i32
    %scan3A_28 = arith.addi %scan3A_26, %scan3A_27 : i32
    %scan3A_29 = arith.constant 1 : i32
    %scan3A_30 = scf.for %scan3A_35 = %scan3A_26 to %scan3A_28 step %scan3A_29 iter_args(%scan3A_36 = %scan3A_25) -> (i32)  : i32 {
      %dma_wait3A = arith.constant 0 : i32
      %dma_wait3A_37 = arith.constant 0 : i32
      %dma_wait3A_38 = tpu.memref_slice %arg5[%dma_wait3A, %dma_wait3A_37] : memref<160x64xi32, #tpu.memory_space<vmem>> -> memref<1x64xi32, #tpu.memory_space<vmem>>
      %dma_wait3A_39 = tpu.memref_squeeze %dma_wait3A_38 : memref<1x64xi32, #tpu.memory_space<vmem>> -> memref<64xi32, #tpu.memory_space<vmem>>
      %dma_wait3A_40 = arith.constant 0 : i32
      %dma_wait3A_41 = tpu.memref_slice %arg4[%dma_wait3A_40] : memref<10240xf32, #tpu.memory_space<vmem_shared>> -> memref<10240xf32, #tpu.memory_space<vmem_shared>>
      tpu.wait_indirect_dma semaphore(%arg8 : memref<!tpu.dma_semaphore, #tpu.memory_space<semaphore_mem>>) src(%arg6 : memref<64xf32, #tpu.memory_space<vmem>>) dst(%dma_wait3A_41 : memref<10240xf32, #tpu.memory_space<vmem_shared>>)
      %scan3A_42 = arith.constant 0 : i32
      scf.yield %scan3A_42 : i32
    }
    %scan3A_31 = arith.constant 160 : i32
    %barrier3A_32 = arith.constant 0 : index
    tpu.barrier barrier_id(%barrier3A_32)
    %eq3A = arith.constant 0 : i32
    %eq3A_33 = arith.cmpi eq, %arg1, %eq3A : i32
    %convert_element_type3A = arith.extui %eq3A_33 : i1 to i32
    %cond3A = arith.constant 0 : i32
    %cond3A_34 = arith.cmpi ne, %convert_element_type3A, %cond3A : i32
    scf.if %cond3A_34 {
      %mul3A_35 = arith.constant 10240 : i32
      %mul3A_36 = arith.muli %arg0, %mul3A_35 : i32
      "tpu.region"() ({
        %run_scoped3A = tpu.sem_alloc : memref<!tpu.dma_semaphore, #tpu.memory_space<semaphore_mem>>
        %dma_start3A = tpu.memref_slice %arg3[%mul3A_36] : memref<20480xf32, #tpu.memory_space<hbm>> -> memref<10240xf32, #tpu.memory_space<hbm>>
        tpu.enqueue_dma source(%arg4 : memref<10240xf32, #tpu.memory_space<vmem_shared>>) target(%dma_start3A : memref<10240xf32, #tpu.memory_space<hbm>>) target_semaphore(%run_scoped3A : memref<!tpu.dma_semaphore, #tpu.memory_space<semaphore_mem>>)
        %dma_wait3A = tpu.memref_slice %arg3[%mul3A_36] : memref<20480xf32, #tpu.memory_space<hbm>> -> memref<10240xf32, #tpu.memory_space<hbm>>
        tpu.wait_dma2 semaphore(%run_scoped3A : memref<!tpu.dma_semaphore, #tpu.memory_space<semaphore_mem>>) src(%arg4 : memref<10240xf32, #tpu.memory_space<vmem_shared>>) dst(%dma_wait3A : memref<10240xf32, #tpu.memory_space<hbm>>)
        tpu.yield
      }) : () -> ()
    } else {
    }
    return
  }
}

#map = affine_map<(d0, d1) -> (0, 0)>
module attributes {stable_mosaic.version = 14 : i64} {
  func.func @_sc_agg(%arg0: i32, %arg1: i32, %arg2: memref<10240x128xf32, #tpu.memory_space<hbm>>, %arg3: memref<5120x64xi32, #tpu.memory_space<hbm>>, %arg4: memref<5120x64xi32, #tpu.memory_space<hbm>>, %arg5: memref<10240x128xf32, #tpu.memory_space<hbm>>, %arg6: memref<10240x128xf32, #tpu.memory_space<hbm>>, %arg7: memref<10240x128xf32, #tpu.memory_space<vmem_shared>>, %arg8: memref<2x32x64xi32, #tpu.memory_space<vmem>>, %arg9: memref<2x32x64xi32, #tpu.memory_space<vmem>>, %arg10: memref<2x64x128xf32, #tpu.memory_space<vmem>>, %arg11: memref<16x128xf32, #tpu.memory_space<vmem>>, %arg12: memref<2x!tpu.dma_semaphore, #tpu.memory_space<semaphore_mem>>, %arg13: memref<2x!tpu.dma_semaphore, #tpu.memory_space<semaphore_mem>>, %arg14: memref<!tpu.dma_semaphore, #tpu.memory_space<semaphore_mem>>, %arg15: memref<!tpu.dma_semaphore, #tpu.memory_space<semaphore_mem>>) attributes {dimension_semantics = [#tpu.dimension_semantics<core_parallel>, #tpu.dimension_semantics<subcore_parallel>], iteration_bounds = array<i64: 2, 16>, scalar_prefetch = 0 : i64, scratch_operands = 9 : i64, tpu.core_type = #tpu.core_type<sc_vector_subcore>, window_params = [{transform_indices = #map}, {transform_indices = #map}, {transform_indices = #map}, {transform_indices = #map}, {transform_indices = #map}]} {
    %mul3A = arith.constant 16 : i32
    %mul3A_0 = arith.muli %arg0, %mul3A : i32
    %add3A = arith.addi %mul3A_0, %arg1 : i32
    %mul3A_1 = arith.constant 160 : i32
    %mul3A_2 = arith.muli %add3A, %mul3A_1 : i32
    %broadcast_in_dim3A = arith.constant 0.000000e+00 : f32
    %broadcast_in_dim3A_3 = vector.broadcast %broadcast_in_dim3A : f32 to vector<16x128xf32>
    %swap3A = arith.constant 0 : index
    %swap3A_4 = arith.constant 0 : index
    %swap3A_5 = tpu.vector_load %arg11[%swap3A, %swap3A_4] {strides = array<i32>} : memref<16x128xf32, #tpu.memory_space<vmem>>, vector<16x128xf32>,
    %swap3A_6 = vector.shape_cast %swap3A_5 : vector<16x128xf32> to vector<16x128xf32>
    %swap3A_7 = vector.shape_cast %broadcast_in_dim3A_3 : vector<16x128xf32> to vector<16x128xf32>
    tpu.vector_store %arg11[%swap3A, %swap3A_4], %swap3A_7 {strides = array<i32>} : memref<16x128xf32, #tpu.memory_space<vmem>>, vector<16x128xf32>,
    %scan3A = arith.constant 0 : i32
    %scan3A_8 = arith.constant 0 : i32
    %scan3A_9 = arith.constant 40 : i32
    %scan3A_10 = arith.addi %scan3A_8, %scan3A_9 : i32
    %scan3A_11 = arith.constant 1 : i32
    %scan3A_12 = scf.for %scan3A_54 = %scan3A_8 to %scan3A_10 step %scan3A_11 iter_args(%scan3A_55 = %scan3A) -> (i32)  : i32 {
      %mul3A_56 = arith.constant 640 : i32
      %mul3A_57 = arith.muli %arg1, %mul3A_56 : i32
      %mul3A_58 = arith.constant 16 : i32
      %mul3A_59 = arith.muli %scan3A_54, %mul3A_58 : i32
      %add3A_60 = arith.addi %mul3A_57, %mul3A_59 : i32
      "tpu.region"() ({
        %run_scoped3A = tpu.sem_alloc : memref<!tpu.dma_semaphore, #tpu.memory_space<semaphore_mem>>
        %dma_start3A_62 = arith.constant 0 : i32
        %dma_start3A_63 = tpu.memref_slice %arg7[%add3A_60, %dma_start3A_62] : memref<10240x128xf32, #tpu.memory_space<vmem_shared>> -> memref<16x128xf32, #tpu.memory_space<vmem_shared>>
        %dma_start3A_64 = arith.constant 0 : i32
        %dma_start3A_65 = tpu.memref_slice %arg7[%add3A_60, %dma_start3A_64] : memref<10240x128xf32, #tpu.memory_space<vmem_shared>> -> memref<16x128xf32, #tpu.memory_space<vmem_shared>>
        tpu.enqueue_dma source(%arg11 : memref<16x128xf32, #tpu.memory_space<vmem>>) target(%dma_start3A_65 : memref<16x128xf32, #tpu.memory_space<vmem_shared>>) target_semaphore(%run_scoped3A : memref<!tpu.dma_semaphore, #tpu.memory_space<semaphore_mem>>)
        %dma_wait3A = arith.constant 0 : i32
        %dma_wait3A_66 = tpu.memref_slice %arg7[%add3A_60, %dma_wait3A] : memref<10240x128xf32, #tpu.memory_space<vmem_shared>> -> memref<16x128xf32, #tpu.memory_space<vmem_shared>>
        %dma_wait3A_67 = arith.constant 0 : i32
        %dma_wait3A_68 = tpu.memref_slice %arg7[%add3A_60, %dma_wait3A_67] : memref<10240x128xf32, #tpu.memory_space<vmem_shared>> -> memref<16x128xf32, #tpu.memory_space<vmem_shared>>
        tpu.wait_dma2 semaphore(%run_scoped3A : memref<!tpu.dma_semaphore, #tpu.memory_space<semaphore_mem>>) src(%arg11 : memref<16x128xf32, #tpu.memory_space<vmem>>) dst(%dma_wait3A_68 : memref<16x128xf32, #tpu.memory_space<vmem_shared>>)
        tpu.yield
      }) : () -> ()
      %scan3A_61 = arith.constant 0 : i32
      scf.yield %scan3A_61 : i32
    }
    %scan3A_13 = arith.constant 40 : i32
    %dma_start3A = arith.constant 0 : i32
    %dma_start3A_14 = arith.constant 0 : i32
    %dma_start3A_15 = arith.constant 0 : i32
    %dma_start3A_16 = tpu.memref_slice %arg8[%dma_start3A, %dma_start3A_14, %dma_start3A_15] : memref<2x32x64xi32, #tpu.memory_space<vmem>> -> memref<1x32x64xi32, #tpu.memory_space<vmem>>
    %dma_start3A_17 = tpu.memref_squeeze %dma_start3A_16 : memref<1x32x64xi32, #tpu.memory_space<vmem>> -> memref<32x64xi32, #tpu.memory_space<vmem>>
    %dma_start3A_18 = arith.constant 0 : i32
    %dma_start3A_19 = tpu.memref_slice %arg3[%mul3A_2, %dma_start3A_18] : memref<5120x64xi32, #tpu.memory_space<hbm>> -> memref<32x64xi32, #tpu.memory_space<hbm>>
    %dma_start3A_20 = arith.constant 0 : i32
    %dma_start3A_21 = arith.constant 0 : i32
    %dma_start3A_22 = tpu.memref_slice %arg8[%dma_start3A, %dma_start3A_20, %dma_start3A_21] : memref<2x32x64xi32, #tpu.memory_space<vmem>> -> memref<1x32x64xi32, #tpu.memory_space<vmem>>
    %dma_start3A_23 = tpu.memref_squeeze %dma_start3A_22 : memref<1x32x64xi32, #tpu.memory_space<vmem>> -> memref<32x64xi32, #tpu.memory_space<vmem>>
    %dma_start3A_24 = arith.constant 0 : i32
    %dma_start3A_25 = tpu.memref_slice %arg3[%mul3A_2, %dma_start3A_24] : memref<5120x64xi32, #tpu.memory_space<hbm>> -> memref<32x64xi32, #tpu.memory_space<hbm>>
    tpu.enqueue_dma source(%dma_start3A_25 : memref<32x64xi32, #tpu.memory_space<hbm>>) target(%dma_start3A_23 : memref<32x64xi32, #tpu.memory_space<vmem>>) target_semaphore(%arg14 : memref<!tpu.dma_semaphore, #tpu.memory_space<semaphore_mem>>)
    %dma_start3A_26 = arith.constant 0 : i32
    %dma_start3A_27 = arith.constant 0 : i32
    %dma_start3A_28 = arith.constant 0 : i32
    %dma_start3A_29 = tpu.memref_slice %arg9[%dma_start3A_26, %dma_start3A_27, %dma_start3A_28] : memref<2x32x64xi32, #tpu.memory_space<vmem>> -> memref<1x32x64xi32, #tpu.memory_space<vmem>>
    %dma_start3A_30 = tpu.memref_squeeze %dma_start3A_29 : memref<1x32x64xi32, #tpu.memory_space<vmem>> -> memref<32x64xi32, #tpu.memory_space<vmem>>
    %dma_start3A_31 = arith.constant 0 : i32
    %dma_start3A_32 = tpu.memref_slice %arg4[%mul3A_2, %dma_start3A_31] : memref<5120x64xi32, #tpu.memory_space<hbm>> -> memref<32x64xi32, #tpu.memory_space<hbm>>
    %dma_start3A_33 = arith.constant 0 : i32
    %dma_start3A_34 = arith.constant 0 : i32
    %dma_start3A_35 = tpu.memref_slice %arg9[%dma_start3A_26, %dma_start3A_33, %dma_start3A_34] : memref<2x32x64xi32, #tpu.memory_space<vmem>> -> memref<1x32x64xi32, #tpu.memory_space<vmem>>
    %dma_start3A_36 = tpu.memref_squeeze %dma_start3A_35 : memref<1x32x64xi32, #tpu.memory_space<vmem>> -> memref<32x64xi32, #tpu.memory_space<vmem>>
    %dma_start3A_37 = arith.constant 0 : i32
    %dma_start3A_38 = tpu.memref_slice %arg4[%mul3A_2, %dma_start3A_37] : memref<5120x64xi32, #tpu.memory_space<hbm>> -> memref<32x64xi32, #tpu.memory_space<hbm>>
    tpu.enqueue_dma source(%dma_start3A_38 : memref<32x64xi32, #tpu.memory_space<hbm>>) target(%dma_start3A_36 : memref<32x64xi32, #tpu.memory_space<vmem>>) target_semaphore(%arg15 : memref<!tpu.dma_semaphore, #tpu.memory_space<semaphore_mem>>)
    %barrier3A = arith.constant 0 : index
    tpu.barrier barrier_id(%barrier3A)
    %scan3A_39 = arith.constant 0 : i32
    %scan3A_40 = arith.constant 0 : i32
    %scan3A_41 = arith.constant 162 : i32
    %scan3A_42 = arith.addi %scan3A_40, %scan3A_41 : i32
    %scan3A_43 = arith.constant 1 : i32
    %scan3A_44 = scf.for %scan3A_54 = %scan3A_40 to %scan3A_42 step %scan3A_43 iter_args(%scan3A_55 = %scan3A_39) -> (i32)  : i32 {
      %div3A = arith.constant 32 : i32
      %div3A_56 = arith.divsi %scan3A_54, %div3A : i32
      %rem3A = arith.constant 32 : i32
      %rem3A_57 = arith.remsi %scan3A_54, %rem3A : i32
      %rem3A_58 = arith.constant 2 : i32
      %rem3A_59 = arith.remsi %div3A_56, %rem3A_58 : i32
      %rem3A_60 = arith.constant 2 : i32
      %rem3A_61 = arith.remsi %scan3A_54, %rem3A_60 : i32
      %sub3A = arith.constant 1 : i32
      %sub3A_62 = arith.subi %scan3A_54, %sub3A : i32
      %add3A_63 = arith.constant 2 : i32
      %add3A_64 = arith.addi %sub3A_62, %add3A_63 : i32
      %rem3A_65 = arith.constant 2 : i32
      %rem3A_66 = arith.remsi %add3A_64, %rem3A_65 : i32
      %add3A_67 = arith.constant 32 : i32
      %add3A_68 = arith.addi %sub3A_62, %add3A_67 : i32
      %div3A_69 = arith.constant 32 : i32
      %div3A_70 = arith.divsi %add3A_68, %div3A_69 : i32
      %sub3A_71 = arith.constant 1 : i32
      %sub3A_72 = arith.subi %div3A_70, %sub3A_71 : i32
      %mul3A_73 = arith.constant 32 : i32
      %mul3A_74 = arith.muli %sub3A_72, %mul3A_73 : i32
      %sub3A_75 = arith.subi %sub3A_62, %mul3A_74 : i32
      %add3A_76 = arith.constant 2 : i32
      %add3A_77 = arith.addi %sub3A_72, %add3A_76 : i32
      %rem3A_78 = arith.constant 2 : i32
      %rem3A_79 = arith.remsi %add3A_77, %rem3A_78 : i32
      %ge3A = arith.constant 2 : i32
      %ge3A_80 = arith.cmpi sge, %scan3A_54, %ge3A : i32
      %convert_element_type3A_81 = arith.extui %ge3A_80 : i1 to i32
      %cond3A_82 = arith.constant 0 : i32
      %cond3A_83 = arith.cmpi ne, %convert_element_type3A_81, %cond3A_82 : i32
      scf.if %cond3A_83 {
        %dma_wait3A = arith.constant 0 : i32
        %dma_wait3A_114 = arith.constant 0 : i32
        %dma_wait3A_115 = arith.constant 0 : i32
        %dma_wait3A_116 = arith.constant 0 : i32
        %dma_wait3A_117 = tpu.memref_slice %arg10[%rem3A_61, %dma_wait3A_115, %dma_wait3A_116] : memref<2x64x128xf32, #tpu.memory_space<vmem>> -> memref<1x64x128xf32, #tpu.memory_space<vmem>>
        %dma_wait3A_118 = tpu.memref_squeeze %dma_wait3A_117 : memref<1x64x128xf32, #tpu.memory_space<vmem>> -> memref<64x128xf32, #tpu.memory_space<vmem>>
        %dma_wait3A_119 = arith.constant 0 : i32
        %dma_wait3A_120 = tpu.memref_slice %arg9[%dma_wait3A, %dma_wait3A_114, %dma_wait3A_119] : memref<2x32x64xi32, #tpu.memory_space<vmem>> -> memref<1x1x64xi32, #tpu.memory_space<vmem>>
        %dma_wait3A_121 = tpu.memref_squeeze %dma_wait3A_120 : memref<1x1x64xi32, #tpu.memory_space<vmem>> -> memref<64xi32, #tpu.memory_space<vmem>>
        %dma_wait3A_122 = arith.constant 0 : i32
        %dma_wait3A_123 = arith.constant 0 : i32
        %dma_wait3A_124 = tpu.memref_slice %arg7[%dma_wait3A_122, %dma_wait3A_123] : memref<10240x128xf32, #tpu.memory_space<vmem_shared>> -> memref<10240x128xf32, #tpu.memory_space<vmem_shared>>
        %dma_wait3A_125 = tpu.memref_slice %arg13[%rem3A_61] : memref<2x!tpu.dma_semaphore, #tpu.memory_space<semaphore_mem>> -> memref<1x!tpu.dma_semaphore, #tpu.memory_space<semaphore_mem>>
        %dma_wait3A_126 = tpu.memref_squeeze %dma_wait3A_125 : memref<1x!tpu.dma_semaphore, #tpu.memory_space<semaphore_mem>> -> memref<!tpu.dma_semaphore, #tpu.memory_space<semaphore_mem>>
        tpu.wait_indirect_dma semaphore(%dma_wait3A_126 : memref<!tpu.dma_semaphore, #tpu.memory_space<semaphore_mem>>) src(%dma_wait3A_118 : memref<64x128xf32, #tpu.memory_space<vmem>>) dst(%dma_wait3A_124 : memref<10240x128xf32, #tpu.memory_space<vmem_shared>>)
      } else {
      }
      %eq3A_84 = arith.constant 0 : i32
      %eq3A_85 = arith.cmpi eq, %rem3A_57, %eq3A_84 : i32
      %lt3A = arith.constant 160 : i32
      %lt3A_86 = arith.cmpi slt, %scan3A_54, %lt3A : i32
      %and3A = arith.andi %eq3A_85, %lt3A_86 : i1
      %convert_element_type3A_87 = arith.extui %and3A : i1 to i32
      %cond3A_88 = arith.constant 0 : i32
      %cond3A_89 = arith.cmpi ne, %convert_element_type3A_87, %cond3A_88 : i32
      scf.if %cond3A_89 {
        %dma_wait3A = arith.constant 0 : i32
        %dma_wait3A_114 = arith.constant 0 : i32
        %dma_wait3A_115 = arith.constant 0 : i32
        %dma_wait3A_116 = tpu.memref_slice %arg8[%dma_wait3A, %dma_wait3A_114, %dma_wait3A_115] : memref<2x32x64xi32, #tpu.memory_space<vmem>> -> memref<1x32x64xi32, #tpu.memory_space<vmem>>
        %dma_wait3A_117 = tpu.memref_squeeze %dma_wait3A_116 : memref<1x32x64xi32, #tpu.memory_space<vmem>> -> memref<32x64xi32, #tpu.memory_space<vmem>>
        %dma_wait3A_118 = arith.constant 0 : i32
        %dma_wait3A_119 = tpu.memref_slice %arg3[%mul3A_2, %dma_wait3A_118] : memref<5120x64xi32, #tpu.memory_space<hbm>> -> memref<32x64xi32, #tpu.memory_space<hbm>>
        %dma_wait3A_120 = arith.constant 0 : i32
        %dma_wait3A_121 = arith.constant 0 : i32
        %dma_wait3A_122 = tpu.memref_slice %arg8[%dma_wait3A, %dma_wait3A_120, %dma_wait3A_121] : memref<2x32x64xi32, #tpu.memory_space<vmem>> -> memref<1x32x64xi32, #tpu.memory_space<vmem>>
        %dma_wait3A_123 = tpu.memref_squeeze %dma_wait3A_122 : memref<1x32x64xi32, #tpu.memory_space<vmem>> -> memref<32x64xi32, #tpu.memory_space<vmem>>
        %dma_wait3A_124 = arith.constant 0 : i32
        %dma_wait3A_125 = tpu.memref_slice %arg3[%mul3A_2, %dma_wait3A_124] : memref<5120x64xi32, #tpu.memory_space<hbm>> -> memref<32x64xi32, #tpu.memory_space<hbm>>
        tpu.wait_dma2 semaphore(%arg14 : memref<!tpu.dma_semaphore, #tpu.memory_space<semaphore_mem>>) src(%dma_wait3A_125 : memref<32x64xi32, #tpu.memory_space<hbm>>) dst(%dma_wait3A_123 : memref<32x64xi32, #tpu.memory_space<vmem>>)
        %dma_wait3A_126 = arith.constant 0 : i32
        %dma_wait3A_127 = arith.constant 0 : i32
        %dma_wait3A_128 = arith.constant 0 : i32
        %dma_wait3A_129 = tpu.memref_slice %arg9[%dma_wait3A_126, %dma_wait3A_127, %dma_wait3A_128] : memref<2x32x64xi32, #tpu.memory_space<vmem>> -> memref<1x32x64xi32, #tpu.memory_space<vmem>>
        %dma_wait3A_130 = tpu.memref_squeeze %dma_wait3A_129 : memref<1x32x64xi32, #tpu.memory_space<vmem>> -> memref<32x64xi32, #tpu.memory_space<vmem>>
        %dma_wait3A_131 = arith.constant 0 : i32
        %dma_wait3A_132 = tpu.memref_slice %arg4[%mul3A_2, %dma_wait3A_131] : memref<5120x64xi32, #tpu.memory_space<hbm>> -> memref<32x64xi32, #tpu.memory_space<hbm>>
        %dma_wait3A_133 = arith.constant 0 : i32
        %dma_wait3A_134 = arith.constant 0 : i32
        %dma_wait3A_135 = tpu.memref_slice %arg9[%dma_wait3A_126, %dma_wait3A_133, %dma_wait3A_134] : memref<2x32x64xi32, #tpu.memory_space<vmem>> -> memref<1x32x64xi32, #tpu.memory_space<vmem>>
        %dma_wait3A_136 = tpu.memref_squeeze %dma_wait3A_135 : memref<1x32x64xi32, #tpu.memory_space<vmem>> -> memref<32x64xi32, #tpu.memory_space<vmem>>
        %dma_wait3A_137 = arith.constant 0 : i32
        %dma_wait3A_138 = tpu.memref_slice %arg4[%mul3A_2, %dma_wait3A_137] : memref<5120x64xi32, #tpu.memory_space<hbm>> -> memref<32x64xi32, #tpu.memory_space<hbm>>
        tpu.wait_dma2 semaphore(%arg15 : memref<!tpu.dma_semaphore, #tpu.memory_space<semaphore_mem>>) src(%dma_wait3A_138 : memref<32x64xi32, #tpu.memory_space<hbm>>) dst(%dma_wait3A_136 : memref<32x64xi32, #tpu.memory_space<vmem>>)
      } else {
      }
      %eq3A_90 = arith.constant 2 : i32
      %eq3A_91 = arith.cmpi eq, %rem3A_57, %eq3A_90 : i32
      %add3A_92 = arith.constant 32 : i32
      %add3A_93 = arith.addi %scan3A_54, %add3A_92 : i32
      %lt3A_94 = arith.constant 160 : i32
      %lt3A_95 = arith.cmpi slt, %add3A_93, %lt3A_94 : i32
      %and3A_96 = arith.andi %eq3A_91, %lt3A_95 : i1
      %convert_element_type3A_97 = arith.extui %and3A_96 : i1 to i32
      %cond3A_98 = arith.constant 0 : i32
      %cond3A_99 = arith.cmpi ne, %convert_element_type3A_97, %cond3A_98 : i32
      scf.if %cond3A_99 {
        %add3A_114 = arith.constant 1 : i32
        %add3A_115 = arith.addi %div3A_56, %add3A_114 : i32
        %mul3A_116 = arith.constant 32 : i32
        %mul3A_117 = arith.muli %add3A_115, %mul3A_116 : i32
        %add3A_118 = arith.addi %mul3A_2, %mul3A_117 : i32
        %add3A_119 = arith.constant 1 : i32
        %add3A_120 = arith.addi %div3A_56, %add3A_119 : i32
        %rem3A_121 = arith.constant 2 : i32
        %rem3A_122 = arith.remsi %add3A_120, %rem3A_121 : i32
        %dma_start3A_123 = arith.constant 0 : i32
        %dma_start3A_124 = arith.constant 0 : i32
        %dma_start3A_125 = tpu.memref_slice %arg8[%rem3A_122, %dma_start3A_123, %dma_start3A_124] : memref<2x32x64xi32, #tpu.memory_space<vmem>> -> memref<1x32x64xi32, #tpu.memory_space<vmem>>
        %dma_start3A_126 = tpu.memref_squeeze %dma_start3A_125 : memref<1x32x64xi32, #tpu.memory_space<vmem>> -> memref<32x64xi32, #tpu.memory_space<vmem>>
        %dma_start3A_127 = arith.constant 0 : i32
        %dma_start3A_128 = tpu.memref_slice %arg3[%add3A_118, %dma_start3A_127] : memref<5120x64xi32, #tpu.memory_space<hbm>> -> memref<32x64xi32, #tpu.memory_space<hbm>>
        %dma_start3A_129 = arith.constant 0 : i32
        %dma_start3A_130 = arith.constant 0 : i32
        %dma_start3A_131 = tpu.memref_slice %arg8[%rem3A_122, %dma_start3A_129, %dma_start3A_130] : memref<2x32x64xi32, #tpu.memory_space<vmem>> -> memref<1x32x64xi32, #tpu.memory_space<vmem>>
        %dma_start3A_132 = tpu.memref_squeeze %dma_start3A_131 : memref<1x32x64xi32, #tpu.memory_space<vmem>> -> memref<32x64xi32, #tpu.memory_space<vmem>>
        %dma_start3A_133 = arith.constant 0 : i32
        %dma_start3A_134 = tpu.memref_slice %arg3[%add3A_118, %dma_start3A_133] : memref<5120x64xi32, #tpu.memory_space<hbm>> -> memref<32x64xi32, #tpu.memory_space<hbm>>
        tpu.enqueue_dma source(%dma_start3A_134 : memref<32x64xi32, #tpu.memory_space<hbm>>) target(%dma_start3A_132 : memref<32x64xi32, #tpu.memory_space<vmem>>) target_semaphore(%arg14 : memref<!tpu.dma_semaphore, #tpu.memory_space<semaphore_mem>>)
        %add3A_135 = arith.constant 1 : i32
        %add3A_136 = arith.addi %div3A_56, %add3A_135 : i32
        %rem3A_137 = arith.constant 2 : i32
        %rem3A_138 = arith.remsi %add3A_136, %rem3A_137 : i32
        %dma_start3A_139 = arith.constant 0 : i32
        %dma_start3A_140 = arith.constant 0 : i32
        %dma_start3A_141 = tpu.memref_slice %arg9[%rem3A_138, %dma_start3A_139, %dma_start3A_140] : memref<2x32x64xi32, #tpu.memory_space<vmem>> -> memref<1x32x64xi32, #tpu.memory_space<vmem>>
        %dma_start3A_142 = tpu.memref_squeeze %dma_start3A_141 : memref<1x32x64xi32, #tpu.memory_space<vmem>> -> memref<32x64xi32, #tpu.memory_space<vmem>>
        %dma_start3A_143 = arith.constant 0 : i32
        %dma_start3A_144 = tpu.memref_slice %arg4[%add3A_118, %dma_start3A_143] : memref<5120x64xi32, #tpu.memory_space<hbm>> -> memref<32x64xi32, #tpu.memory_space<hbm>>
        %dma_start3A_145 = arith.constant 0 : i32
        %dma_start3A_146 = arith.constant 0 : i32
        %dma_start3A_147 = tpu.memref_slice %arg9[%rem3A_138, %dma_start3A_145, %dma_start3A_146] : memref<2x32x64xi32, #tpu.memory_space<vmem>> -> memref<1x32x64xi32, #tpu.memory_space<vmem>>
        %dma_start3A_148 = tpu.memref_squeeze %dma_start3A_147 : memref<1x32x64xi32, #tpu.memory_space<vmem>> -> memref<32x64xi32, #tpu.memory_space<vmem>>
        %dma_start3A_149 = arith.constant 0 : i32
        %dma_start3A_150 = tpu.memref_slice %arg4[%add3A_118, %dma_start3A_149] : memref<5120x64xi32, #tpu.memory_space<hbm>> -> memref<32x64xi32, #tpu.memory_space<hbm>>
        tpu.enqueue_dma source(%dma_start3A_150 : memref<32x64xi32, #tpu.memory_space<hbm>>) target(%dma_start3A_148 : memref<32x64xi32, #tpu.memory_space<vmem>>) target_semaphore(%arg15 : memref<!tpu.dma_semaphore, #tpu.memory_space<semaphore_mem>>)
      } else {
      }
      %lt3A_100 = arith.constant 160 : i32
      %lt3A_101 = arith.cmpi slt, %scan3A_54, %lt3A_100 : i32
      %convert_element_type3A_102 = arith.extui %lt3A_101 : i1 to i32
      %cond3A_103 = arith.constant 0 : i32
      %cond3A_104 = arith.cmpi ne, %convert_element_type3A_102, %cond3A_103 : i32
      scf.if %cond3A_104 {
        %dma_start3A_114 = arith.constant 0 : i32
        %dma_start3A_115 = arith.constant 0 : i32
        %dma_start3A_116 = tpu.memref_slice %arg10[%rem3A_61, %dma_start3A_114, %dma_start3A_115] : memref<2x64x128xf32, #tpu.memory_space<vmem>> -> memref<1x64x128xf32, #tpu.memory_space<vmem>>
        %dma_start3A_117 = tpu.memref_squeeze %dma_start3A_116 : memref<1x64x128xf32, #tpu.memory_space<vmem>> -> memref<64x128xf32, #tpu.memory_space<vmem>>
        %dma_start3A_118 = arith.constant 0 : i32
        %dma_start3A_119 = tpu.memref_slice %arg8[%rem3A_59, %rem3A_57, %dma_start3A_118] : memref<2x32x64xi32, #tpu.memory_space<vmem>> -> memref<1x1x64xi32, #tpu.memory_space<vmem>>
        %dma_start3A_120 = tpu.memref_squeeze %dma_start3A_119 : memref<1x1x64xi32, #tpu.memory_space<vmem>> -> memref<64xi32, #tpu.memory_space<vmem>>
        %dma_start3A_121 = arith.constant 0 : i32
        %dma_start3A_122 = arith.constant 0 : i32
        %dma_start3A_123 = tpu.memref_slice %arg2[%dma_start3A_121, %dma_start3A_122] : memref<10240x128xf32, #tpu.memory_space<hbm>> -> memref<10240x128xf32, #tpu.memory_space<hbm>>
        %dma_start3A_124 = tpu.memref_slice %arg12[%rem3A_61] : memref<2x!tpu.dma_semaphore, #tpu.memory_space<semaphore_mem>> -> memref<1x!tpu.dma_semaphore, #tpu.memory_space<semaphore_mem>>
        %dma_start3A_125 = tpu.memref_squeeze %dma_start3A_124 : memref<1x!tpu.dma_semaphore, #tpu.memory_space<semaphore_mem>> -> memref<!tpu.dma_semaphore, #tpu.memory_space<semaphore_mem>>
        tpu.enqueue_indirect_dma source(%dma_start3A_123 : memref<10240x128xf32, #tpu.memory_space<hbm>>) target(%dma_start3A_117 : memref<64x128xf32, #tpu.memory_space<vmem>>) offsets(%dma_start3A_120 : memref<64xi32, #tpu.memory_space<vmem>>) semaphore(%dma_start3A_125 : memref<!tpu.dma_semaphore, #tpu.memory_space<semaphore_mem>>)
      } else {
      }
      %ge3A_105 = arith.constant 0 : i32
      %ge3A_106 = arith.cmpi sge, %sub3A_62, %ge3A_105 : i32
      %lt3A_107 = arith.constant 160 : i32
      %lt3A_108 = arith.cmpi slt, %sub3A_62, %lt3A_107 : i32
      %and3A_109 = arith.andi %ge3A_106, %lt3A_108 : i1
      %convert_element_type3A_110 = arith.extui %and3A_109 : i1 to i32
      %cond3A_111 = arith.constant 0 : i32
      %cond3A_112 = arith.cmpi ne, %convert_element_type3A_110, %cond3A_111 : i32
      scf.if %cond3A_112 {
        %dma_wait3A = arith.constant 0 : i32
        %dma_wait3A_114 = arith.constant 0 : i32
        %dma_wait3A_115 = arith.constant 0 : i32
        %dma_wait3A_116 = arith.constant 0 : i32
        %dma_wait3A_117 = tpu.memref_slice %arg10[%rem3A_66, %dma_wait3A_115, %dma_wait3A_116] : memref<2x64x128xf32, #tpu.memory_space<vmem>> -> memref<1x64x128xf32, #tpu.memory_space<vmem>>
        %dma_wait3A_118 = tpu.memref_squeeze %dma_wait3A_117 : memref<1x64x128xf32, #tpu.memory_space<vmem>> -> memref<64x128xf32, #tpu.memory_space<vmem>>
        %dma_wait3A_119 = arith.constant 0 : i32
        %dma_wait3A_120 = tpu.memref_slice %arg8[%dma_wait3A, %dma_wait3A_114, %dma_wait3A_119] : memref<2x32x64xi32, #tpu.memory_space<vmem>> -> memref<1x1x64xi32, #tpu.memory_space<vmem>>
        %dma_wait3A_121 = tpu.memref_squeeze %dma_wait3A_120 : memref<1x1x64xi32, #tpu.memory_space<vmem>> -> memref<64xi32, #tpu.memory_space<vmem>>
        %dma_wait3A_122 = arith.constant 0 : i32
        %dma_wait3A_123 = arith.constant 0 : i32
        %dma_wait3A_124 = tpu.memref_slice %arg2[%dma_wait3A_122, %dma_wait3A_123] : memref<10240x128xf32, #tpu.memory_space<hbm>> -> memref<10240x128xf32, #tpu.memory_space<hbm>>
        %dma_wait3A_125 = tpu.memref_slice %arg12[%rem3A_66] : memref<2x!tpu.dma_semaphore, #tpu.memory_space<semaphore_mem>> -> memref<1x!tpu.dma_semaphore, #tpu.memory_space<semaphore_mem>>
        %dma_wait3A_126 = tpu.memref_squeeze %dma_wait3A_125 : memref<1x!tpu.dma_semaphore, #tpu.memory_space<semaphore_mem>> -> memref<!tpu.dma_semaphore, #tpu.memory_space<semaphore_mem>>
        tpu.wait_indirect_dma semaphore(%dma_wait3A_126 : memref<!tpu.dma_semaphore, #tpu.memory_space<semaphore_mem>>) src(%dma_wait3A_124 : memref<10240x128xf32, #tpu.memory_space<hbm>>) dst(%dma_wait3A_118 : memref<64x128xf32, #tpu.memory_space<vmem>>)
        %dma_start3A_127 = arith.constant 0 : i32
        %dma_start3A_128 = arith.constant 0 : i32
        %dma_start3A_129 = tpu.memref_slice %arg10[%rem3A_66, %dma_start3A_127, %dma_start3A_128] : memref<2x64x128xf32, #tpu.memory_space<vmem>> -> memref<1x64x128xf32, #tpu.memory_space<vmem>>
        %dma_start3A_130 = tpu.memref_squeeze %dma_start3A_129 : memref<1x64x128xf32, #tpu.memory_space<vmem>> -> memref<64x128xf32, #tpu.memory_space<vmem>>
        %dma_start3A_131 = arith.constant 0 : i32
        %dma_start3A_132 = tpu.memref_slice %arg9[%rem3A_79, %sub3A_75, %dma_start3A_131] : memref<2x32x64xi32, #tpu.memory_space<vmem>> -> memref<1x1x64xi32, #tpu.memory_space<vmem>>
        %dma_start3A_133 = tpu.memref_squeeze %dma_start3A_132 : memref<1x1x64xi32, #tpu.memory_space<vmem>> -> memref<64xi32, #tpu.memory_space<vmem>>
        %dma_start3A_134 = arith.constant 0 : i32
        %dma_start3A_135 = arith.constant 0 : i32
        %dma_start3A_136 = tpu.memref_slice %arg7[%dma_start3A_134, %dma_start3A_135] : memref<10240x128xf32, #tpu.memory_space<vmem_shared>> -> memref<10240x128xf32, #tpu.memory_space<vmem_shared>>
        %dma_start3A_137 = tpu.memref_slice %arg13[%rem3A_66] : memref<2x!tpu.dma_semaphore, #tpu.memory_space<semaphore_mem>> -> memref<1x!tpu.dma_semaphore, #tpu.memory_space<semaphore_mem>>
        %dma_start3A_138 = tpu.memref_squeeze %dma_start3A_137 : memref<1x!tpu.dma_semaphore, #tpu.memory_space<semaphore_mem>> -> memref<!tpu.dma_semaphore, #tpu.memory_space<semaphore_mem>>
        tpu.enqueue_indirect_dma source(%dma_start3A_130 : memref<64x128xf32, #tpu.memory_space<vmem>>) target(%dma_start3A_136 : memref<10240x128xf32, #tpu.memory_space<vmem_shared>>) offsets(%dma_start3A_133 : memref<64xi32, #tpu.memory_space<vmem>>) semaphore(%dma_start3A_138 : memref<!tpu.dma_semaphore, #tpu.memory_space<semaphore_mem>>) {add = true}
      } else {
      }
      %scan3A_113 = arith.constant 0 : i32
      scf.yield %scan3A_113 : i32
    }
    %scan3A_45 = arith.constant 162 : i32
    %barrier3A_46 = arith.constant 0 : index
    tpu.barrier barrier_id(%barrier3A_46)
    %eq3A = arith.constant 0 : i32
    %eq3A_47 = arith.cmpi eq, %arg0, %eq3A : i32
    %convert_element_type3A = arith.extui %eq3A_47 : i1 to i32
    %cond3A = arith.constant 0 : i32
    %cond3A_48 = arith.cmpi ne, %convert_element_type3A, %cond3A : i32
    scf.if %cond3A_48 {
      %mul3A_54 = arith.constant 640 : i32
      %mul3A_55 = arith.muli %arg1, %mul3A_54 : i32
      %mul3A_56 = arith.constant 640 : i32
      %mul3A_57 = arith.muli %arg1, %mul3A_56 : i32
      "tpu.region"() ({
        %run_scoped3A = tpu.sem_alloc : memref<!tpu.dma_semaphore, #tpu.memory_space<semaphore_mem>>
        %dma_start3A_58 = arith.constant 0 : i32
        %dma_start3A_59 = tpu.memref_slice %arg5[%mul3A_57, %dma_start3A_58] : memref<10240x128xf32, #tpu.memory_space<hbm>> -> memref<640x128xf32, #tpu.memory_space<hbm>>
        %dma_start3A_60 = arith.constant 0 : i32
        %dma_start3A_61 = tpu.memref_slice %arg7[%mul3A_55, %dma_start3A_60] : memref<10240x128xf32, #tpu.memory_space<vmem_shared>> -> memref<640x128xf32, #tpu.memory_space<vmem_shared>>
        tpu.enqueue_dma source(%dma_start3A_61 : memref<640x128xf32, #tpu.memory_space<vmem_shared>>) target(%dma_start3A_59 : memref<640x128xf32, #tpu.memory_space<hbm>>) target_semaphore(%run_scoped3A : memref<!tpu.dma_semaphore, #tpu.memory_space<semaphore_mem>>)
        %dma_wait3A = arith.constant 0 : i32
        %dma_wait3A_62 = tpu.memref_slice %arg5[%mul3A_57, %dma_wait3A] : memref<10240x128xf32, #tpu.memory_space<hbm>> -> memref<640x128xf32, #tpu.memory_space<hbm>>
        %dma_wait3A_63 = arith.constant 0 : i32
        %dma_wait3A_64 = tpu.memref_slice %arg7[%mul3A_55, %dma_wait3A_63] : memref<10240x128xf32, #tpu.memory_space<vmem_shared>> -> memref<640x128xf32, #tpu.memory_space<vmem_shared>>
        tpu.wait_dma2 semaphore(%run_scoped3A : memref<!tpu.dma_semaphore, #tpu.memory_space<semaphore_mem>>) src(%dma_wait3A_64 : memref<640x128xf32, #tpu.memory_space<vmem_shared>>) dst(%dma_wait3A_62 : memref<640x128xf32, #tpu.memory_space<hbm>>)
        tpu.yield
      }) : () -> ()
    } else {
    }
    %eq3A_49 = arith.constant 1 : i32
    %eq3A_50 = arith.cmpi eq, %arg0, %eq3A_49 : i32
    %convert_element_type3A_51 = arith.extui %eq3A_50 : i1 to i32
    %cond3A_52 = arith.constant 0 : i32
    %cond3A_53 = arith.cmpi ne, %convert_element_type3A_51, %cond3A_52 : i32
    scf.if %cond3A_53 {
      %mul3A_54 = arith.constant 640 : i32
      %mul3A_55 = arith.muli %arg1, %mul3A_54 : i32
      %mul3A_56 = arith.constant 640 : i32
      %mul3A_57 = arith.muli %arg1, %mul3A_56 : i32
      "tpu.region"() ({
        %run_scoped3A = tpu.sem_alloc : memref<!tpu.dma_semaphore, #tpu.memory_space<semaphore_mem>>
        %dma_start3A_58 = arith.constant 0 : i32
        %dma_start3A_59 = tpu.memref_slice %arg6[%mul3A_57, %dma_start3A_58] : memref<10240x128xf32, #tpu.memory_space<hbm>> -> memref<640x128xf32, #tpu.memory_space<hbm>>
        %dma_start3A_60 = arith.constant 0 : i32
        %dma_start3A_61 = tpu.memref_slice %arg7[%mul3A_55, %dma_start3A_60] : memref<10240x128xf32, #tpu.memory_space<vmem_shared>> -> memref<640x128xf32, #tpu.memory_space<vmem_shared>>
        tpu.enqueue_dma source(%dma_start3A_61 : memref<640x128xf32, #tpu.memory_space<vmem_shared>>) target(%dma_start3A_59 : memref<640x128xf32, #tpu.memory_space<hbm>>) target_semaphore(%run_scoped3A : memref<!tpu.dma_semaphore, #tpu.memory_space<semaphore_mem>>)
        %dma_wait3A = arith.constant 0 : i32
        %dma_wait3A_62 = tpu.memref_slice %arg6[%mul3A_57, %dma_wait3A] : memref<10240x128xf32, #tpu.memory_space<hbm>> -> memref<640x128xf32, #tpu.memory_space<hbm>>
        %dma_wait3A_63 = arith.constant 0 : i32
        %dma_wait3A_64 = tpu.memref_slice %arg7[%mul3A_55, %dma_wait3A_63] : memref<10240x128xf32, #tpu.memory_space<vmem_shared>> -> memref<640x128xf32, #tpu.memory_space<vmem_shared>>
        tpu.wait_dma2 semaphore(%run_scoped3A : memref<!tpu.dma_semaphore, #tpu.memory_space<semaphore_mem>>) src(%dma_wait3A_64 : memref<640x128xf32, #tpu.memory_space<vmem_shared>>) dst(%dma_wait3A_62 : memref<640x128xf32, #tpu.memory_space<hbm>>)
        tpu.yield
      }) : () -> ()
    } else {
    }
    return
  }
}

module attributes {stable_mosaic.version = 14 : i64} {
  func.func @_k1_body(%arg0: i32, %arg1: memref<1280x128xf32, #tpu.memory_space<vmem>>, %arg2: memref<1280x1xf32, #tpu.memory_space<vmem>>, %arg3: memref<1280x1xf32, #tpu.memory_space<vmem>>, %arg4: memref<1280x128xf32, #tpu.memory_space<vmem>>, %arg5: memref<1280x1xf32, #tpu.memory_space<vmem>>) attributes {dimension_semantics = [#tpu.dimension_semantics<arbitrary>], iteration_bounds = array<i64: 8>, scalar_prefetch = 0 : i64, scratch_operands = 0 : i64, tpu.core_type = #tpu.core_type<tc>, window_params = [{transform_indices = @transform_0, window_bounds = array<i64: 1280, 128>}, {transform_indices = @transform_1, window_bounds = array<i64: 1280, 1>}, {transform_indices = @transform_2, window_bounds = array<i64: 1280, 1>}, {transform_indices = @transform_3, window_bounds = array<i64: 1280, 128>}, {transform_indices = @transform_4, window_bounds = array<i64: 1280, 1>}]} {
    %get3A = arith.constant 0 : index
    %get3A_0 = arith.constant 0 : index
    %get3A_1 = vector.load %arg2[%get3A, %get3A_0] : memref<1280x1xf32, #tpu.memory_space<vmem>>, vector<1280x1xf32>
    %get3A_2 = arith.constant 0 : index
    %get3A_3 = arith.constant 0 : index
    %get3A_4 = vector.load %arg3[%get3A_2, %get3A_3] : memref<1280x1xf32, #tpu.memory_space<vmem>>, vector<1280x1xf32>
    %add3A = arith.addf %get3A_1, %get3A_4 : vector<1280x1xf32>
    %add3A_5 = arith.constant 1.000000e+00 : f32
    %add3A_6 = vector.broadcast %add3A_5 : f32 to vector<1280x1xf32>
    %add3A_7 = arith.addf %add3A, %add3A_6 : vector<1280x1xf32>
    %rsqrt3A = math.rsqrt %add3A_7 : vector<1280x1xf32>
    %get3A_8 = arith.constant 0 : index
    %get3A_9 = arith.constant 0 : index
    %get3A_10 = vector.load %arg1[%get3A_8, %get3A_9] : memref<1280x128xf32, #tpu.memory_space<vmem>>, vector<1280x128xf32>
    %mul3A = vector.broadcast %rsqrt3A : vector<1280x1xf32> to vector<1280x128xf32>
    %mul3A_11 = arith.mulf %get3A_10, %mul3A : vector<1280x128xf32>
    %swap3A = arith.constant 0 : index
    %swap3A_12 = arith.constant 0 : index
    %swap3A_13 = vector.load %arg4[%swap3A, %swap3A_12] : memref<1280x128xf32, #tpu.memory_space<vmem>>, vector<1280x128xf32>
    tpu.vector_store %arg4[%swap3A, %swap3A_12], %mul3A_11 {strides = array<i32>} : memref<1280x128xf32, #tpu.memory_space<vmem>>, vector<1280x128xf32>,
    %swap3A_14 = arith.constant 0 : index
    %swap3A_15 = arith.constant 0 : index
    %swap3A_16 = vector.load %arg5[%swap3A_14, %swap3A_15] : memref<1280x1xf32, #tpu.memory_space<vmem>>, vector<1280x1xf32>
    tpu.vector_store %arg5[%swap3A_14, %swap3A_15], %rsqrt3A {strides = array<i32>} : memref<1280x1xf32, #tpu.memory_space<vmem>>, vector<1280x1xf32>,
    return
  }
  func.func @transform_0(%arg0: i32) -> (i32, i32) {
    %c0_i32 = arith.constant 0 : i32
    %c0_i32_0 = arith.constant 0 : i32
    return %arg0, %c0_i32 : i32, i32
  }
  func.func @transform_1(%arg0: i32) -> (i32, i32) {
    %c0_i32 = arith.constant 0 : i32
    %c0_i32_0 = arith.constant 0 : i32
    return %arg0, %c0_i32 : i32, i32
  }
  func.func @transform_2(%arg0: i32) -> (i32, i32) {
    %c0_i32 = arith.constant 0 : i32
    %c0_i32_0 = arith.constant 0 : i32
    return %arg0, %c0_i32 : i32, i32
  }
  func.func @transform_3(%arg0: i32) -> (i32, i32) {
    %c0_i32 = arith.constant 0 : i32
    %c0_i32_0 = arith.constant 0 : i32
    return %arg0, %c0_i32 : i32, i32
  }
  func.func @transform_4(%arg0: i32) -> (i32, i32) {
    %c0_i32 = arith.constant 0 : i32
    %c0_i32_0 = arith.constant 0 : i32
    return %arg0, %c0_i32 : i32, i32
  }
}

module attributes {stable_mosaic.version = 14 : i64} {
  func.func @_k2_body(%arg0: i32, %arg1: memref<1280x128xf32, #tpu.memory_space<vmem>>, %arg2: memref<1280x128xf32, #tpu.memory_space<vmem>>, %arg3: memref<1280x128xf32, #tpu.memory_space<vmem>>, %arg4: memref<1280x1xf32, #tpu.memory_space<vmem>>, %arg5: memref<128x128xf32, #tpu.memory_space<vmem>>, %arg6: memref<1x128xf32, #tpu.memory_space<vmem>>, %arg7: memref<1x128xf32, #tpu.memory_space<vmem>>, %arg8: memref<1x128xf32, #tpu.memory_space<vmem>>, %arg9: memref<1280x128xf32, #tpu.memory_space<vmem>>) attributes {dimension_semantics = [#tpu.dimension_semantics<arbitrary>], iteration_bounds = array<i64: 8>, scalar_prefetch = 0 : i64, scratch_operands = 0 : i64, tpu.core_type = #tpu.core_type<tc>, window_params = [{transform_indices = @transform_0, window_bounds = array<i64: 1280, 128>}, {transform_indices = @transform_1, window_bounds = array<i64: 1280, 128>}, {transform_indices = @transform_2, window_bounds = array<i64: 1280, 128>}, {transform_indices = @transform_3, window_bounds = array<i64: 1280, 1>}, {pipeline_mode = #tpu.pipeline_mode<synchronous>, transform_indices = @transform_4, window_bounds = array<i64: 128, 128>}, {pipeline_mode = #tpu.pipeline_mode<synchronous>, transform_indices = @transform_5, window_bounds = array<i64: 1, 128>}, {pipeline_mode = #tpu.pipeline_mode<synchronous>, transform_indices = @transform_6, window_bounds = array<i64: 1, 128>}, {pipeline_mode = #tpu.pipeline_mode<synchronous>, transform_indices = @transform_7, window_bounds = array<i64: 1, 128>}, {transform_indices = @transform_8, window_bounds = array<i64: 1280, 128>}]} {
    %get3A = arith.constant 0 : index
    %get3A_0 = arith.constant 0 : index
    %get3A_1 = vector.load %arg4[%get3A, %get3A_0] : memref<1280x1xf32, #tpu.memory_space<vmem>>, vector<1280x1xf32>
    %get3A_2 = arith.constant 0 : index
    %get3A_3 = arith.constant 0 : index
    %get3A_4 = vector.load %arg1[%get3A_2, %get3A_3] : memref<1280x128xf32, #tpu.memory_space<vmem>>, vector<1280x128xf32>
    %get3A_5 = arith.constant 0 : index
    %get3A_6 = arith.constant 0 : index
    %get3A_7 = vector.load %arg2[%get3A_5, %get3A_6] : memref<1280x128xf32, #tpu.memory_space<vmem>>, vector<1280x128xf32>
    %add3A = arith.addf %get3A_4, %get3A_7 : vector<1280x128xf32>
    %get3A_8 = arith.constant 0 : index
    %get3A_9 = arith.constant 0 : index
    %get3A_10 = vector.load %arg3[%get3A_8, %get3A_9] : memref<1280x128xf32, #tpu.memory_space<vmem>>, vector<1280x128xf32>
    %add3A_11 = arith.addf %add3A, %get3A_10 : vector<1280x128xf32>
    %mul3A = vector.broadcast %get3A_1 : vector<1280x1xf32> to vector<1280x128xf32>
    %mul3A_12 = arith.mulf %add3A_11, %mul3A : vector<1280x128xf32>
    %get3A_13 = arith.constant 0 : index
    %get3A_14 = arith.constant 0 : index
    %get3A_15 = vector.load %arg5[%get3A_13, %get3A_14] : memref<128x128xf32, #tpu.memory_space<vmem>>, vector<128x128xf32>
    %dot_general3A = arith.constant dense<0.000000e+00> : vector<1280x128xf32>
    %dot_general3A_16 = tpu.matmul %mul3A_12, %get3A_15, %dot_general3A {dimension_numbers = #tpu.dot_dimension_numbers<[1], [0], [0], [1], [0, 0, 1, 1], [], []>, transpose_lhs_hint = false} : vector<1280x128xf32>, vector<128x128xf32>, vector<1280x128xf32> -> vector<1280x128xf32>
    %get3A_17 = arith.constant 0 : index
    %get3A_18 = arith.constant 0 : index
    %get3A_19 = vector.load %arg6[%get3A_17, %get3A_18] : memref<1x128xf32, #tpu.memory_space<vmem>>, vector<1x128xf32>
    %add3A_20 = vector.broadcast %get3A_19 : vector<1x128xf32> to vector<1280x128xf32>
    %add3A_21 = arith.addf %dot_general3A_16, %add3A_20 : vector<1280x128xf32>
    %get3A_22 = arith.constant 0 : index
    %get3A_23 = arith.constant 0 : index
    %get3A_24 = vector.load %arg7[%get3A_22, %get3A_23] : memref<1x128xf32, #tpu.memory_space<vmem>>, vector<1x128xf32>
    %get3A_25 = arith.constant 0 : index
    %get3A_26 = arith.constant 0 : index
    %get3A_27 = vector.load %arg8[%get3A_25, %get3A_26] : memref<1x128xf32, #tpu.memory_space<vmem>>, vector<1x128xf32>
    %reduce_sum3A = arith.constant dense<0.000000e+00> : vector<1280xf32>
    %reduce_sum3A_28 = vector.multi_reduction <add>, %add3A_21, %reduce_sum3A [1] : vector<1280x128xf32> to vector<1280xf32>
    %broadcast_in_dim3A = vector.shape_cast %reduce_sum3A_28 : vector<1280xf32> to vector<1280x1xf32>
    %div3A = arith.constant 1.280000e+02 : f32
    %div3A_29 = vector.broadcast %div3A : f32 to vector<1280x1xf32>
    %div3A_30 = arith.divf %broadcast_in_dim3A, %div3A_29 : vector<1280x1xf32>
    %jit3A = arith.constant 0 : i32
    %reduce_sum3A_31 = arith.constant dense<0.000000e+00> : vector<1280xf32>
    %reduce_sum3A_32 = vector.multi_reduction <add>, %add3A_21, %reduce_sum3A_31 [1] : vector<1280x128xf32> to vector<1280xf32>
    %broadcast_in_dim3A_33 = vector.shape_cast %reduce_sum3A_32 : vector<1280xf32> to vector<1280x1xf32>
    %div3A_34 = arith.constant 1.280000e+02 : f32
    %div3A_35 = vector.broadcast %div3A_34 : f32 to vector<1280x1xf32>
    %div3A_36 = arith.divf %broadcast_in_dim3A_33, %div3A_35 : vector<1280x1xf32>
    %sub3A = vector.broadcast %div3A_36 : vector<1280x1xf32> to vector<1280x128xf32>
    %sub3A_37 = arith.subf %add3A_21, %sub3A : vector<1280x128xf32>
    %square3A = arith.mulf %sub3A_37, %sub3A_37 : vector<1280x128xf32>
    %convert_element_type3A = arith.sitofp %jit3A : i32 to f32
    %sub3A_38 = arith.constant 1.280000e+02 : f32
    %sub3A_39 = arith.subf %sub3A_38, %convert_element_type3A : f32
    %reduce_sum3A_40 = arith.constant dense<0.000000e+00> : vector<1280xf32>
    %reduce_sum3A_41 = vector.multi_reduction <add>, %square3A, %reduce_sum3A_40 [1] : vector<1280x128xf32> to vector<1280xf32>
    %broadcast_in_dim3A_42 = vector.shape_cast %reduce_sum3A_41 : vector<1280xf32> to vector<1280x1xf32>
    %div3A_43 = vector.broadcast %sub3A_39 : f32 to vector<1280x1xf32>
    %div3A_44 = arith.divf %broadcast_in_dim3A_42, %div3A_43 : vector<1280x1xf32>
    %gt3A = arith.constant 0.000000e+00 : f32
    %gt3A_45 = arith.cmpf ogt, %sub3A_39, %gt3A : f32
    %jit3A_46 = arith.constant 0x7FC00000 : f32
    %broadcast_in_dim3A_47 = vector.broadcast %jit3A_46 : f32 to vector<1280x1xf32>
    %select_n3A = arith.select %gt3A_45, %div3A_44, %broadcast_in_dim3A_47 : vector<1280x1xf32>
    %sub3A_48 = vector.broadcast %div3A_30 : vector<1280x1xf32> to vector<1280x128xf32>
    %sub3A_49 = arith.subf %add3A_21, %sub3A_48 : vector<1280x128xf32>
    %mul3A_50 = vector.broadcast %get3A_24 : vector<1x128xf32> to vector<1280x128xf32>
    %mul3A_51 = arith.mulf %mul3A_50, %sub3A_49 : vector<1280x128xf32>
    %add3A_52 = arith.constant 9.99999974E-6 : f32
    %add3A_53 = vector.broadcast %add3A_52 : f32 to vector<1280x1xf32>
    %add3A_54 = arith.addf %select_n3A, %add3A_53 : vector<1280x1xf32>
    %sqrt3A = math.sqrt %add3A_54 : vector<1280x1xf32>
    %div3A_55 = vector.broadcast %sqrt3A : vector<1280x1xf32> to vector<1280x128xf32>
    %div3A_56 = arith.divf %mul3A_51, %div3A_55 : vector<1280x128xf32>
    %add3A_57 = vector.broadcast %get3A_27 : vector<1x128xf32> to vector<1280x128xf32>
    %add3A_58 = arith.addf %div3A_56, %add3A_57 : vector<1280x128xf32>
    %max3A = arith.constant 0.000000e+00 : f32
    %max3A_59 = vector.broadcast %max3A : f32 to vector<1280x128xf32>
    %max3A_60 = arith.maximumf %add3A_58, %max3A_59 : vector<1280x128xf32>
    %mul3A_61 = vector.broadcast %get3A_1 : vector<1280x1xf32> to vector<1280x128xf32>
    %mul3A_62 = arith.mulf %max3A_60, %mul3A_61 : vector<1280x128xf32>
    %swap3A = arith.constant 0 : index
    %swap3A_63 = arith.constant 0 : index
    %swap3A_64 = vector.load %arg9[%swap3A, %swap3A_63] : memref<1280x128xf32, #tpu.memory_space<vmem>>, vector<1280x128xf32>
    tpu.vector_store %arg9[%swap3A, %swap3A_63], %mul3A_62 {strides = array<i32>} : memref<1280x128xf32, #tpu.memory_space<vmem>>, vector<1280x128xf32>,
    return
  }
  func.func @transform_0(%arg0: i32) -> (i32, i32) {
    %c0_i32 = arith.constant 0 : i32
    %c0_i32_0 = arith.constant 0 : i32
    return %arg0, %c0_i32 : i32, i32
  }
  func.func @transform_1(%arg0: i32) -> (i32, i32) {
    %c0_i32 = arith.constant 0 : i32
    %c0_i32_0 = arith.constant 0 : i32
    return %arg0, %c0_i32 : i32, i32
  }
  func.func @transform_2(%arg0: i32) -> (i32, i32) {
    %c0_i32 = arith.constant 0 : i32
    %c0_i32_0 = arith.constant 0 : i32
    return %arg0, %c0_i32 : i32, i32
  }
  func.func @transform_3(%arg0: i32) -> (i32, i32) {
    %c0_i32 = arith.constant 0 : i32
    %c0_i32_0 = arith.constant 0 : i32
    return %arg0, %c0_i32 : i32, i32
  }
  func.func @transform_4(%arg0: i32) -> (i32, i32) {
    %c0_i32 = arith.constant 0 : i32
    %c0_i32_0 = arith.constant 0 : i32
    %c0_i32_1 = arith.constant 0 : i32
    return %c0_i32, %c0_i32_0 : i32, i32
  }
  func.func @transform_5(%arg0: i32) -> (i32, i32) {
    %c0_i32 = arith.constant 0 : i32
    %c0_i32_0 = arith.constant 0 : i32
    %c0_i32_1 = arith.constant 0 : i32
    return %c0_i32, %c0_i32_0 : i32, i32
  }
  func.func @transform_6(%arg0: i32) -> (i32, i32) {
    %c0_i32 = arith.constant 0 : i32
    %c0_i32_0 = arith.constant 0 : i32
    %c0_i32_1 = arith.constant 0 : i32
    return %c0_i32, %c0_i32_0 : i32, i32
  }
  func.func @transform_7(%arg0: i32) -> (i32, i32) {
    %c0_i32 = arith.constant 0 : i32
    %c0_i32_0 = arith.constant 0 : i32
    %c0_i32_1 = arith.constant 0 : i32
    return %c0_i32, %c0_i32_0 : i32, i32
  }
  func.func @transform_8(%arg0: i32) -> (i32, i32) {
    %c0_i32 = arith.constant 0 : i32
    %c0_i32_0 = arith.constant 0 : i32
    return %arg0, %c0_i32 : i32, i32
  }
}

module attributes {stable_mosaic.version = 14 : i64} {
  func.func @_kc_body(%arg0: i32, %arg1: memref<1280x16xf32, #tpu.memory_space<vmem>>, %arg2: memref<16x16xf32, #tpu.memory_space<vmem>>, %arg3: memref<1x16xf32, #tpu.memory_space<vmem>>, %arg4: memref<16x128xf32, #tpu.memory_space<vmem>>, %arg5: memref<1x128xf32, #tpu.memory_space<vmem>>, %arg6: memref<128x128xf32, #tpu.memory_space<vmem>>, %arg7: memref<1280x128xf32, #tpu.memory_space<vmem>>) attributes {dimension_semantics = [#tpu.dimension_semantics<arbitrary>], iteration_bounds = array<i64: 8>, scalar_prefetch = 0 : i64, scratch_operands = 0 : i64, tpu.core_type = #tpu.core_type<tc>, window_params = [{transform_indices = @transform_0, window_bounds = array<i64: 1280, 16>}, {pipeline_mode = #tpu.pipeline_mode<synchronous>, transform_indices = @transform_1, window_bounds = array<i64: 16, 16>}, {pipeline_mode = #tpu.pipeline_mode<synchronous>, transform_indices = @transform_2, window_bounds = array<i64: 1, 16>}, {pipeline_mode = #tpu.pipeline_mode<synchronous>, transform_indices = @transform_3, window_bounds = array<i64: 16, 128>}, {pipeline_mode = #tpu.pipeline_mode<synchronous>, transform_indices = @transform_4, window_bounds = array<i64: 1, 128>}, {pipeline_mode = #tpu.pipeline_mode<synchronous>, transform_indices = @transform_5, window_bounds = array<i64: 128, 128>}, {transform_indices = @transform_6, window_bounds = array<i64: 1280, 128>}]} {
    %get3A = arith.constant 0 : index
    %get3A_0 = arith.constant 0 : index
    %get3A_1 = vector.load %arg1[%get3A, %get3A_0] : memref<1280x16xf32, #tpu.memory_space<vmem>>, vector<1280x16xf32>
    %get3A_2 = arith.constant 0 : index
    %get3A_3 = arith.constant 0 : index
    %get3A_4 = vector.load %arg2[%get3A_2, %get3A_3] : memref<16x16xf32, #tpu.memory_space<vmem>>, vector<16x16xf32>
    %dot_general3A = arith.constant dense<0.000000e+00> : vector<1280x16xf32>
    %dot_general3A_5 = tpu.matmul %get3A_1, %get3A_4, %dot_general3A {dimension_numbers = #tpu.dot_dimension_numbers<[1], [0], [0], [1], [0, 0, 1, 1], [], []>, transpose_lhs_hint = false} : vector<1280x16xf32>, vector<16x16xf32>, vector<1280x16xf32> -> vector<1280x16xf32>
    %get3A_6 = arith.constant 0 : index
    %get3A_7 = arith.constant 0 : index
    %get3A_8 = vector.load %arg3[%get3A_6, %get3A_7] : memref<1x16xf32, #tpu.memory_space<vmem>>, vector<1x16xf32>
    %add3A = vector.broadcast %get3A_8 : vector<1x16xf32> to vector<1280x16xf32>
    %add3A_9 = arith.addf %dot_general3A_5, %add3A : vector<1280x16xf32>
    %max3A = arith.constant 0.000000e+00 : f32
    %max3A_10 = vector.broadcast %max3A : f32 to vector<1280x16xf32>
    %max3A_11 = arith.maximumf %add3A_9, %max3A_10 : vector<1280x16xf32>
    %get3A_12 = arith.constant 0 : index
    %get3A_13 = arith.constant 0 : index
    %get3A_14 = vector.load %arg4[%get3A_12, %get3A_13] : memref<16x128xf32, #tpu.memory_space<vmem>>, vector<16x128xf32>
    %dot_general3A_15 = arith.constant dense<0.000000e+00> : vector<1280x128xf32>
    %dot_general3A_16 = tpu.matmul %max3A_11, %get3A_14, %dot_general3A_15 {dimension_numbers = #tpu.dot_dimension_numbers<[1], [0], [0], [1], [0, 0, 1, 1], [], []>, transpose_lhs_hint = false} : vector<1280x16xf32>, vector<16x128xf32>, vector<1280x128xf32> -> vector<1280x128xf32>
    %get3A_17 = arith.constant 0 : index
    %get3A_18 = arith.constant 0 : index
    %get3A_19 = vector.load %arg5[%get3A_17, %get3A_18] : memref<1x128xf32, #tpu.memory_space<vmem>>, vector<1x128xf32>
    %add3A_20 = vector.broadcast %get3A_19 : vector<1x128xf32> to vector<1280x128xf32>
    %add3A_21 = arith.addf %dot_general3A_16, %add3A_20 : vector<1280x128xf32>
    %get3A_22 = arith.constant 0 : index
    %get3A_23 = arith.constant 0 : index
    %get3A_24 = vector.load %arg6[%get3A_22, %get3A_23] : memref<128x128xf32, #tpu.memory_space<vmem>>, vector<128x128xf32>
    %dot_general3A_25 = arith.constant dense<0.000000e+00> : vector<1280x128xf32>
    %dot_general3A_26 = tpu.matmul %add3A_21, %get3A_24, %dot_general3A_25 {dimension_numbers = #tpu.dot_dimension_numbers<[1], [0], [0], [1], [0, 0, 1, 1], [], []>, transpose_lhs_hint = false} : vector<1280x128xf32>, vector<128x128xf32>, vector<1280x128xf32> -> vector<1280x128xf32>
    %swap3A = arith.constant 0 : index
    %swap3A_27 = arith.constant 0 : index
    %swap3A_28 = vector.load %arg7[%swap3A, %swap3A_27] : memref<1280x128xf32, #tpu.memory_space<vmem>>, vector<1280x128xf32>
    tpu.vector_store %arg7[%swap3A, %swap3A_27], %dot_general3A_26 {strides = array<i32>} : memref<1280x128xf32, #tpu.memory_space<vmem>>, vector<1280x128xf32>,
    return
  }
  func.func @transform_0(%arg0: i32) -> (i32, i32) {
    %c0_i32 = arith.constant 0 : i32
    %c0_i32_0 = arith.constant 0 : i32
    return %arg0, %c0_i32 : i32, i32
  }
  func.func @transform_1(%arg0: i32) -> (i32, i32) {
    %c0_i32 = arith.constant 0 : i32
    %c0_i32_0 = arith.constant 0 : i32
    %c0_i32_1 = arith.constant 0 : i32
    return %c0_i32, %c0_i32_0 : i32, i32
  }
  func.func @transform_2(%arg0: i32) -> (i32, i32) {
    %c0_i32 = arith.constant 0 : i32
    %c0_i32_0 = arith.constant 0 : i32
    %c0_i32_1 = arith.constant 0 : i32
    return %c0_i32, %c0_i32_0 : i32, i32
  }
  func.func @transform_3(%arg0: i32) -> (i32, i32) {
    %c0_i32 = arith.constant 0 : i32
    %c0_i32_0 = arith.constant 0 : i32
    %c0_i32_1 = arith.constant 0 : i32
    return %c0_i32, %c0_i32_0 : i32, i32
  }
  func.func @transform_4(%arg0: i32) -> (i32, i32) {
    %c0_i32 = arith.constant 0 : i32
    %c0_i32_0 = arith.constant 0 : i32
    %c0_i32_1 = arith.constant 0 : i32
    return %c0_i32, %c0_i32_0 : i32, i32
  }
  func.func @transform_5(%arg0: i32) -> (i32, i32) {
    %c0_i32 = arith.constant 0 : i32
    %c0_i32_0 = arith.constant 0 : i32
    %c0_i32_1 = arith.constant 0 : i32
    return %c0_i32, %c0_i32_0 : i32, i32
  }
  func.func @transform_6(%arg0: i32) -> (i32, i32) {
    %c0_i32 = arith.constant 0 : i32
    %c0_i32_0 = arith.constant 0 : i32
    return %arg0, %c0_i32 : i32, i32
  }
}

module attributes {stable_mosaic.version = 14 : i64} {
  func.func @_k3_body(%arg0: i32, %arg1: memref<1280x128xf32, #tpu.memory_space<vmem>>, %arg2: memref<1280x128xf32, #tpu.memory_space<vmem>>, %arg3: memref<1280x128xf32, #tpu.memory_space<vmem>>, %arg4: memref<1280x1xf32, #tpu.memory_space<vmem>>, %arg5: memref<128x128xf32, #tpu.memory_space<vmem>>, %arg6: memref<1x128xf32, #tpu.memory_space<vmem>>, %arg7: memref<1x128xf32, #tpu.memory_space<vmem>>, %arg8: memref<1x128xf32, #tpu.memory_space<vmem>>, %arg9: memref<1280x128xf32, #tpu.memory_space<vmem>>, %arg10: memref<128x128xf32, #tpu.memory_space<vmem>>, %arg11: memref<1x128xf32, #tpu.memory_space<vmem>>, %arg12: memref<128x8xf32, #tpu.memory_space<vmem>>, %arg13: memref<1x8xf32, #tpu.memory_space<vmem>>, %arg14: memref<1280x8xf32, #tpu.memory_space<vmem>>) attributes {dimension_semantics = [#tpu.dimension_semantics<arbitrary>], iteration_bounds = array<i64: 8>, scalar_prefetch = 0 : i64, scratch_operands = 0 : i64, tpu.core_type = #tpu.core_type<tc>, window_params = [{transform_indices = @transform_0, window_bounds = array<i64: 1280, 128>}, {transform_indices = @transform_1, window_bounds = array<i64: 1280, 128>}, {transform_indices = @transform_2, window_bounds = array<i64: 1280, 128>}, {transform_indices = @transform_3, window_bounds = array<i64: 1280, 1>}, {pipeline_mode = #tpu.pipeline_mode<synchronous>, transform_indices = @transform_4, window_bounds = array<i64: 128, 128>}, {pipeline_mode = #tpu.pipeline_mode<synchronous>, transform_indices = @transform_5, window_bounds = array<i64: 1, 128>}, {pipeline_mode = #tpu.pipeline_mode<synchronous>, transform_indices = @transform_6, window_bounds = array<i64: 1, 128>}, {pipeline_mode = #tpu.pipeline_mode<synchronous>, transform_indices = @transform_7, window_bounds = array<i64: 1, 128>}, {transform_indices = @transform_8, window_bounds = array<i64: 1280, 128>}, {pipeline_mode = #tpu.pipeline_mode<synchronous>, transform_indices = @transform_9, window_bounds = array<i64: 128, 128>}, {pipeline_mode = #tpu.pipeline_mode<synchronous>, transform_indices = @transform_10, window_bounds = array<i64: 1, 128>}, {pipeline_mode = #tpu.pipeline_mode<synchronous>, transform_indices = @transform_11, window_bounds = array<i64: 128, 8>}, {pipeline_mode = #tpu.pipeline_mode<synchronous>, transform_indices = @transform_12, window_bounds = array<i64: 1, 8>}, {transform_indices = @transform_13, window_bounds = array<i64: 1280, 8>}]} {
    %get3A = arith.constant 0 : index
    %get3A_0 = arith.constant 0 : index
    %get3A_1 = vector.load %arg1[%get3A, %get3A_0] : memref<1280x128xf32, #tpu.memory_space<vmem>>, vector<1280x128xf32>
    %get3A_2 = arith.constant 0 : index
    %get3A_3 = arith.constant 0 : index
    %get3A_4 = vector.load %arg2[%get3A_2, %get3A_3] : memref<1280x128xf32, #tpu.memory_space<vmem>>, vector<1280x128xf32>
    %add3A = arith.addf %get3A_1, %get3A_4 : vector<1280x128xf32>
    %get3A_5 = arith.constant 0 : index
    %get3A_6 = arith.constant 0 : index
    %get3A_7 = vector.load %arg3[%get3A_5, %get3A_6] : memref<1280x128xf32, #tpu.memory_space<vmem>>, vector<1280x128xf32>
    %add3A_8 = arith.addf %add3A, %get3A_7 : vector<1280x128xf32>
    %get3A_9 = arith.constant 0 : index
    %get3A_10 = arith.constant 0 : index
    %get3A_11 = vector.load %arg4[%get3A_9, %get3A_10] : memref<1280x1xf32, #tpu.memory_space<vmem>>, vector<1280x1xf32>
    %mul3A = vector.broadcast %get3A_11 : vector<1280x1xf32> to vector<1280x128xf32>
    %mul3A_12 = arith.mulf %add3A_8, %mul3A : vector<1280x128xf32>
    %get3A_13 = arith.constant 0 : index
    %get3A_14 = arith.constant 0 : index
    %get3A_15 = vector.load %arg5[%get3A_13, %get3A_14] : memref<128x128xf32, #tpu.memory_space<vmem>>, vector<128x128xf32>
    %dot_general3A = arith.constant dense<0.000000e+00> : vector<1280x128xf32>
    %dot_general3A_16 = tpu.matmul %mul3A_12, %get3A_15, %dot_general3A {dimension_numbers = #tpu.dot_dimension_numbers<[1], [0], [0], [1], [0, 0, 1, 1], [], []>, transpose_lhs_hint = false} : vector<1280x128xf32>, vector<128x128xf32>, vector<1280x128xf32> -> vector<1280x128xf32>
    %get3A_17 = arith.constant 0 : index
    %get3A_18 = arith.constant 0 : index
    %get3A_19 = vector.load %arg6[%get3A_17, %get3A_18] : memref<1x128xf32, #tpu.memory_space<vmem>>, vector<1x128xf32>
    %add3A_20 = vector.broadcast %get3A_19 : vector<1x128xf32> to vector<1280x128xf32>
    %add3A_21 = arith.addf %dot_general3A_16, %add3A_20 : vector<1280x128xf32>
    %get3A_22 = arith.constant 0 : index
    %get3A_23 = arith.constant 0 : index
    %get3A_24 = vector.load %arg7[%get3A_22, %get3A_23] : memref<1x128xf32, #tpu.memory_space<vmem>>, vector<1x128xf32>
    %get3A_25 = arith.constant 0 : index
    %get3A_26 = arith.constant 0 : index
    %get3A_27 = vector.load %arg8[%get3A_25, %get3A_26] : memref<1x128xf32, #tpu.memory_space<vmem>>, vector<1x128xf32>
    %reduce_sum3A = arith.constant dense<0.000000e+00> : vector<1280xf32>
    %reduce_sum3A_28 = vector.multi_reduction <add>, %add3A_21, %reduce_sum3A [1] : vector<1280x128xf32> to vector<1280xf32>
    %broadcast_in_dim3A = vector.shape_cast %reduce_sum3A_28 : vector<1280xf32> to vector<1280x1xf32>
    %div3A = arith.constant 1.280000e+02 : f32
    %div3A_29 = vector.broadcast %div3A : f32 to vector<1280x1xf32>
    %div3A_30 = arith.divf %broadcast_in_dim3A, %div3A_29 : vector<1280x1xf32>
    %jit3A = arith.constant 0 : i32
    %reduce_sum3A_31 = arith.constant dense<0.000000e+00> : vector<1280xf32>
    %reduce_sum3A_32 = vector.multi_reduction <add>, %add3A_21, %reduce_sum3A_31 [1] : vector<1280x128xf32> to vector<1280xf32>
    %broadcast_in_dim3A_33 = vector.shape_cast %reduce_sum3A_32 : vector<1280xf32> to vector<1280x1xf32>
    %div3A_34 = arith.constant 1.280000e+02 : f32
    %div3A_35 = vector.broadcast %div3A_34 : f32 to vector<1280x1xf32>
    %div3A_36 = arith.divf %broadcast_in_dim3A_33, %div3A_35 : vector<1280x1xf32>
    %sub3A = vector.broadcast %div3A_36 : vector<1280x1xf32> to vector<1280x128xf32>
    %sub3A_37 = arith.subf %add3A_21, %sub3A : vector<1280x128xf32>
    %square3A = arith.mulf %sub3A_37, %sub3A_37 : vector<1280x128xf32>
    %convert_element_type3A = arith.sitofp %jit3A : i32 to f32
    %sub3A_38 = arith.constant 1.280000e+02 : f32
    %sub3A_39 = arith.subf %sub3A_38, %convert_element_type3A : f32
    %reduce_sum3A_40 = arith.constant dense<0.000000e+00> : vector<1280xf32>
    %reduce_sum3A_41 = vector.multi_reduction <add>, %square3A, %reduce_sum3A_40 [1] : vector<1280x128xf32> to vector<1280xf32>
    %broadcast_in_dim3A_42 = vector.shape_cast %reduce_sum3A_41 : vector<1280xf32> to vector<1280x1xf32>
    %div3A_43 = vector.broadcast %sub3A_39 : f32 to vector<1280x1xf32>
    %div3A_44 = arith.divf %broadcast_in_dim3A_42, %div3A_43 : vector<1280x1xf32>
    %gt3A = arith.constant 0.000000e+00 : f32
    %gt3A_45 = arith.cmpf ogt, %sub3A_39, %gt3A : f32
    %jit3A_46 = arith.constant 0x7FC00000 : f32
    %broadcast_in_dim3A_47 = vector.broadcast %jit3A_46 : f32 to vector<1280x1xf32>
    %select_n3A = arith.select %gt3A_45, %div3A_44, %broadcast_in_dim3A_47 : vector<1280x1xf32>
    %sub3A_48 = vector.broadcast %div3A_30 : vector<1280x1xf32> to vector<1280x128xf32>
    %sub3A_49 = arith.subf %add3A_21, %sub3A_48 : vector<1280x128xf32>
    %mul3A_50 = vector.broadcast %get3A_24 : vector<1x128xf32> to vector<1280x128xf32>
    %mul3A_51 = arith.mulf %mul3A_50, %sub3A_49 : vector<1280x128xf32>
    %add3A_52 = arith.constant 9.99999974E-6 : f32
    %add3A_53 = vector.broadcast %add3A_52 : f32 to vector<1280x1xf32>
    %add3A_54 = arith.addf %select_n3A, %add3A_53 : vector<1280x1xf32>
    %sqrt3A = math.sqrt %add3A_54 : vector<1280x1xf32>
    %div3A_55 = vector.broadcast %sqrt3A : vector<1280x1xf32> to vector<1280x128xf32>
    %div3A_56 = arith.divf %mul3A_51, %div3A_55 : vector<1280x128xf32>
    %add3A_57 = vector.broadcast %get3A_27 : vector<1x128xf32> to vector<1280x128xf32>
    %add3A_58 = arith.addf %div3A_56, %add3A_57 : vector<1280x128xf32>
    %max3A = arith.constant 0.000000e+00 : f32
    %max3A_59 = vector.broadcast %max3A : f32 to vector<1280x128xf32>
    %max3A_60 = arith.maximumf %add3A_58, %max3A_59 : vector<1280x128xf32>
    %get3A_61 = arith.constant 0 : index
    %get3A_62 = arith.constant 0 : index
    %get3A_63 = vector.load %arg10[%get3A_61, %get3A_62] : memref<128x128xf32, #tpu.memory_space<vmem>>, vector<128x128xf32>
    %dot_general3A_64 = arith.constant dense<0.000000e+00> : vector<1280x128xf32>
    %dot_general3A_65 = tpu.matmul %max3A_60, %get3A_63, %dot_general3A_64 {dimension_numbers = #tpu.dot_dimension_numbers<[1], [0], [0], [1], [0, 0, 1, 1], [], []>, transpose_lhs_hint = false} : vector<1280x128xf32>, vector<128x128xf32>, vector<1280x128xf32> -> vector<1280x128xf32>
    %get3A_66 = arith.constant 0 : index
    %get3A_67 = arith.constant 0 : index
    %get3A_68 = vector.load %arg9[%get3A_66, %get3A_67] : memref<1280x128xf32, #tpu.memory_space<vmem>>, vector<1280x128xf32>
    %add3A_69 = arith.addf %dot_general3A_65, %get3A_68 : vector<1280x128xf32>
    %get3A_70 = arith.constant 0 : index
    %get3A_71 = arith.constant 0 : index
    %get3A_72 = vector.load %arg11[%get3A_70, %get3A_71] : memref<1x128xf32, #tpu.memory_space<vmem>>, vector<1x128xf32>
    %add3A_73 = vector.broadcast %get3A_72 : vector<1x128xf32> to vector<1280x128xf32>
    %add3A_74 = arith.addf %add3A_69, %add3A_73 : vector<1280x128xf32>
    %max3A_75 = arith.constant 0.000000e+00 : f32
    %max3A_76 = vector.broadcast %max3A_75 : f32 to vector<1280x128xf32>
    %max3A_77 = arith.maximumf %add3A_74, %max3A_76 : vector<1280x128xf32>
    %get3A_78 = arith.constant 0 : index
    %get3A_79 = arith.constant 0 : index
    %get3A_80 = vector.load %arg12[%get3A_78, %get3A_79] : memref<128x8xf32, #tpu.memory_space<vmem>>, vector<128x8xf32>
    %dot_general3A_81 = arith.constant dense<0.000000e+00> : vector<1280x8xf32>
    %dot_general3A_82 = tpu.matmul %max3A_77, %get3A_80, %dot_general3A_81 {dimension_numbers = #tpu.dot_dimension_numbers<[1], [0], [0], [1], [0, 0, 1, 1], [], []>, transpose_lhs_hint = false} : vector<1280x128xf32>, vector<128x8xf32>, vector<1280x8xf32> -> vector<1280x8xf32>
    %get3A_83 = arith.constant 0 : index
    %get3A_84 = arith.constant 0 : index
    %get3A_85 = vector.load %arg13[%get3A_83, %get3A_84] : memref<1x8xf32, #tpu.memory_space<vmem>>, vector<1x8xf32>
    %add3A_86 = vector.broadcast %get3A_85 : vector<1x8xf32> to vector<1280x8xf32>
    %add3A_87 = arith.addf %dot_general3A_82, %add3A_86 : vector<1280x8xf32>
    %swap3A = arith.constant 0 : index
    %swap3A_88 = arith.constant 0 : index
    %swap3A_89 = vector.load %arg14[%swap3A, %swap3A_88] : memref<1280x8xf32, #tpu.memory_space<vmem>>, vector<1280x8xf32>
    tpu.vector_store %arg14[%swap3A, %swap3A_88], %add3A_87 {strides = array<i32>} : memref<1280x8xf32, #tpu.memory_space<vmem>>, vector<1280x8xf32>,
    return
  }
  func.func @transform_0(%arg0: i32) -> (i32, i32) {
    %c0_i32 = arith.constant 0 : i32
    %c0_i32_0 = arith.constant 0 : i32
    return %arg0, %c0_i32 : i32, i32
  }
  func.func @transform_1(%arg0: i32) -> (i32, i32) {
    %c0_i32 = arith.constant 0 : i32
    %c0_i32_0 = arith.constant 0 : i32
    return %arg0, %c0_i32 : i32, i32
  }
  func.func @transform_2(%arg0: i32) -> (i32, i32) {
    %c0_i32 = arith.constant 0 : i32
    %c0_i32_0 = arith.constant 0 : i32
    return %arg0, %c0_i32 : i32, i32
  }
  func.func @transform_3(%arg0: i32) -> (i32, i32) {
    %c0_i32 = arith.constant 0 : i32
    %c0_i32_0 = arith.constant 0 : i32
    return %arg0, %c0_i32 : i32, i32
  }
  func.func @transform_4(%arg0: i32) -> (i32, i32) {
    %c0_i32 = arith.constant 0 : i32
    %c0_i32_0 = arith.constant 0 : i32
    %c0_i32_1 = arith.constant 0 : i32
    return %c0_i32, %c0_i32_0 : i32, i32
  }
  func.func @transform_5(%arg0: i32) -> (i32, i32) {
    %c0_i32 = arith.constant 0 : i32
    %c0_i32_0 = arith.constant 0 : i32
    %c0_i32_1 = arith.constant 0 : i32
    return %c0_i32, %c0_i32_0 : i32, i32
  }
  func.func @transform_6(%arg0: i32) -> (i32, i32) {
    %c0_i32 = arith.constant 0 : i32
    %c0_i32_0 = arith.constant 0 : i32
    %c0_i32_1 = arith.constant 0 : i32
    return %c0_i32, %c0_i32_0 : i32, i32
  }
  func.func @transform_7(%arg0: i32) -> (i32, i32) {
    %c0_i32 = arith.constant 0 : i32
    %c0_i32_0 = arith.constant 0 : i32
    %c0_i32_1 = arith.constant 0 : i32
    return %c0_i32, %c0_i32_0 : i32, i32
  }
  func.func @transform_8(%arg0: i32) -> (i32, i32) {
    %c0_i32 = arith.constant 0 : i32
    %c0_i32_0 = arith.constant 0 : i32
    return %arg0, %c0_i32 : i32, i32
  }
  func.func @transform_9(%arg0: i32) -> (i32, i32) {
    %c0_i32 = arith.constant 0 : i32
    %c0_i32_0 = arith.constant 0 : i32
    %c0_i32_1 = arith.constant 0 : i32
    return %c0_i32, %c0_i32_0 : i32, i32
  }
  func.func @transform_10(%arg0: i32) -> (i32, i32) {
    %c0_i32 = arith.constant 0 : i32
    %c0_i32_0 = arith.constant 0 : i32
    %c0_i32_1 = arith.constant 0 : i32
    return %c0_i32, %c0_i32_0 : i32, i32
  }
  func.func @transform_11(%arg0: i32) -> (i32, i32) {
    %c0_i32 = arith.constant 0 : i32
    %c0_i32_0 = arith.constant 0 : i32
    %c0_i32_1 = arith.constant 0 : i32
    return %c0_i32, %c0_i32_0 : i32, i32
  }
  func.func @transform_12(%arg0: i32) -> (i32, i32) {
    %c0_i32 = arith.constant 0 : i32
    %c0_i32_0 = arith.constant 0 : i32
    %c0_i32_1 = arith.constant 0 : i32
    return %c0_i32, %c0_i32_0 : i32, i32
  }
  func.func @transform_13(%arg0: i32) -> (i32, i32) {
    %c0_i32 = arith.constant 0 : i32
    %c0_i32_0 = arith.constant 0 : i32
    return %arg0, %c0_i32 : i32, i32
  }
}

</mosaic_0001>

<sc_bundles>
// kernel: kernel.12.cloned.1.call-start
scs
__scs_entry_jumppad:
0x0: {  	(pc) =	sbr.rel $0x88, $3  }
0x1: {  	(tag) =	ssettag $0x0;
	lr =	simm.s32 $0x1  }
0x2: {  	[smem:$0x3F8E] =	sst lr;
	_ =	strace $0xD0000000  }
0x3: {  	_ = 	snop  }
0x4: {  	_ = 	snop  }
0x5: {  	_ = 	snop  }
0x6: {  	_ = 	snop  }
0x7: {  	_ = 	snop  }
__scs_overlays_trampoline_lowered:
0x8: {  	[smem:$0x3F9D] =	sst s0  }
0x9: {  	[smem:$0x3F9E] =	sst s1  }
0xa: {  	[smem:$0x3F9F] =	sst s2  }
0xb: {  	[smem:$0x3FA0] =	sst s3  }
0xc: {  	[smem:$0x3FA1] =	sst s4  }
0xd: {  	[smem:$0x3FA2] =	sst s5  }
0xe: {  	[smem:$0x3FA3] =	sst s6  }
0xf: {  	[smem:$0x3FA4] =	sst s7  }
0x10: {  	[smem:$0x3FA5] =	sst s8  }
0x11: {  	[smem:$0x3FA6] =	sst s9;
	s0 =	simm.s32 @!p0 $0x0  }
0x12: {  	s1 =	sld [smem:$0x3F8C];
	s0 =	simm.s32 @p0 $0x1  }
0x13: {  	[smem:$0x3FA7] =	sst s0;
	s0 =	simm.s32 @!p1 $0x0  }
0x14: {  	s2 =	sld [smem:$0x3F8B];
	s0 =	simm.s32 @p1 $0x1  }
0x15: {  	[smem:$0x3FA8] =	sst s0;
	s0 =	simm.s32 @!p2 $0x0  }
0x16: {  	s3 =	sld [smem:$0x3FDB];
	s0 =	simm.s32 @p2 $0x1  }
0x17: {  	s4 =	simm.s32 $0x1BF5;
	[smem:$0x3FAA] =	sst s0  }
0x18: {  	s0 =	sld [smem:$0x3F8D];
	_ =	swait.ge [sflag:s4], $0x0  }
0x19: {  	s7 =	sld [smem:$0x3F8E]  }
0x1a: {  	s8 =	sadd.s32 $0xFFFFE003, lr  }
0x1b: {  	s9 =	sadd.s32 $0xFFFFFEF7, lr;
	s5 =	simm.s32 $0xFFFFFFFF;
	p2 =	slt.u32 s8, $0xFFFFF086  }
0x1c: {  	p1 =	slt.u32 s9, $0xF7A;
	s5 =	simm.s32 @!p2 $0x0  }
0x1d: {  	s5 =	simm.s32 @p1 $0x1;
	p0 =	seq.s32 s7, s2  }
0x1e: {  	s7 =	smul.u32 @!p0 $0xF7A, s2;
	p2 =	seq.s32 @!p0 s5, $0x0  }
0x1f: {  	s9 =	smul.u32 $0xF7A, s1;
	s8 =	simm.s32 @!p0 $0x1BF5;
	p2 =	por !p2, p0  }
0x20: {  	[sflag:s8] =	ssyncset.s32 @!p0 $0xFFFFF086;
	s6 =	sadd.s32 @!p0 s3, s7;
	s7 =	simm.s32 @!p0 $0x108  }
0x21: {  	s3 =	sadd.s32 s3, s9;
	s6 =	sadd.s32 @!p0 $0x88, s6;
	s7 =	simm.s32 @p2 $0x1082  }
0x22: {  	[simem:s7], [sflag:s8] =	dma.local @!p0 [hbm:s6], $0xF7A  }
0x23: {  	s9 =	sor.u32 $0xD0000000, s2;
	s6 =	simm.s32 $0x108;
	_ =	swait.ge @!p0 [sflag:s8], $0x0  }
0x24: {  	s3 =	sadd.s32 $0x88, s3;
	s6 =	simm.s32 @!p1 $0x1082;
	[sflag:s4] =	ssyncset.s32 $0xFFFFF086  }
0x25: {  	[simem:s6], [sflag:s4] =	dma.local [hbm:s3], $0xF7A  }
0x26: {  	[smem:$0x3F8E] =	sst s1;
	(tag) =	ssettag s2;
	_ =	strace s9  }
0x27: {  	s1 =	sld [smem:$0x3F9E]  }
0x28: {  	s2 =	sld [smem:$0x3F9F]  }
0x29: {  	s4 =	sld [smem:$0x3FA1]  }
0x2a: {  	p0 =	seq.s32 s5, $0x0;
	s5 =	sld [smem:$0x3FA2]  }
0x2b: {  	s6 =	sld [smem:$0x3FA3]  }
0x2c: {  	s7 =	sld [smem:$0x3FA4]  }
0x2d: {  	s3 =	simm.s32 $0x108;
	s8 =	sld [smem:$0x3FA5]  }
0x2e: {  	s3 =	simm.s32 @!p0 $0x1082;
	s9 =	sld [smem:$0x3FA6]  }
0x2f: {  	lr =	sadd.s32 s0, s3;
	s0 =	sld [smem:$0x3F9D]  }
0x30: {  	s3 =	sld [smem:$0x3FA0]  }
0x31: {  	[smem:$0x3FA9] =	sst s10  }
0x32: {  	s10 =	sld [smem:$0x3FA7];
	_ =	sdelay $0x3  }
0x33: {  	p0 =	seq.s32 s10, $0x1;
	s10 =	sld [smem:$0x3FA9];
	_ =	sdelay $0x3  }
0x34: {  	[smem:$0x3FA9] =	sst s10  }
0x35: {  	s10 =	sld [smem:$0x3FA8];
	_ =	sdelay $0x3  }
0x36: {  	p1 =	seq.s32 s10, $0x1;
	s10 =	sld [smem:$0x3FA9];
	_ =	sdelay $0x3  }
0x37: {  	[smem:$0x3FA9] =	sst s10  }
0x38: {  	s10 =	sld [smem:$0x3FAA]  }
0x39: {  	_ = 	snop;
	(pc) =	sbr.ind lr, $3  }
0x3a: {  	_ = 	snop  }
0x3b: {  	_ = 	snop  }
0x3c: {  	p2 =	seq.s32 s10, $0x1;
	s10 =	sld [smem:$0x3FA9]  }
0x3d: {  	_ =	shalt  }
0x3e: {  	_ =	shalt  }
0x3f: {  	_ =	shalt  }
0x40: {  	_ =	shalt  }
0x41: {  	_ =	shalt  }
0x42: {  	_ =	shalt  }
0x43: {  	_ =	shalt  }
0x44: {  	_ =	shalt  }
0x45: {  	_ =	shalt  }
0x46: {  	_ =	shalt  }
0x47: {  	_ =	shalt  }
0x48: {  	_ =	shalt  }
0x49: {  	_ =	shalt  }
0x4a: {  	_ =	shalt  }
0x4b: {  	_ =	shalt  }
0x4c: {  	_ =	shalt  }
0x4d: {  	_ =	shalt  }
0x4e: {  	_ =	shalt  }
0x4f: {  	_ =	shalt  }
0x50: {  	_ =	shalt  }
0x51: {  	_ =	shalt  }
0x52: {  	_ =	shalt  }
0x53: {  	_ =	shalt  }
0x54: {  	_ =	shalt  }
0x55: {  	_ =	shalt  }
0x56: {  	_ =	shalt  }
0x57: {  	_ =	shalt  }
0x58: {  	_ =	shalt  }
0x59: {  	_ =	shalt  }
0x5a: {  	_ =	shalt  }
0x5b: {  	_ =	shalt  }
0x5c: {  	_ =	shalt  }
0x5d: {  	_ =	shalt  }
0x5e: {  	_ =	shalt  }
0x5f: {  	_ =	shalt  }
0x60: {  	_ =	shalt  }
0x61: {  	_ =	shalt  }
0x62: {  	_ =	shalt  }
0x63: {  	_ =	shalt  }
0x64: {  	_ =	shalt  }
0x65: {  	_ =	shalt  }
0x66: {  	_ =	shalt  }
0x67: {  	_ =	shalt  }
0x68: {  	_ =	shalt  }
0x69: {  	_ =	shalt  }
0x6a: {  	_ =	shalt  }
0x6b: {  	_ =	shalt  }
0x6c: {  	_ =	shalt  }
0x6d: {  	_ =	shalt  }
0x6e: {  	_ =	shalt  }
0x6f: {  	_ =	shalt  }
0x70: {  	_ =	shalt  }
0x71: {  	_ =	shalt  }
0x72: {  	_ =	shalt  }
0x73: {  	_ =	shalt  }
0x74: {  	_ =	shalt  }
0x75: {  	_ =	shalt  }
0x76: {  	_ =	shalt  }
0x77: {  	_ =	shalt  }
0x78: {  	_ =	shalt  }
0x79: {  	_ =	shalt  }
0x7a: {  	_ =	shalt  }
0x7b: {  	_ =	shalt  }
0x7c: {  	_ =	shalt  }
0x7d: {  	_ =	shalt  }
0x7e: {  	_ =	shalt  }
0x7f: {  	_ =	shalt  }
0x80: {  	_ =	shalt  }
0x81: {  	_ =	shalt  }
0x82: {  	_ =	shalt  }
0x83: {  	_ =	shalt  }
0x84: {  	_ =	shalt  }
0x85: {  	_ =	shalt  }
0x86: {  	_ =	shalt  }
0x87: {  	_ =	shalt  }
.Lfunc_end0:
.L_simem_size_0:
called_computation.1_lowered:
.L_overlay_start_0:
0x88: {  	s2 =	sld [smem:$0x3FD9]  }
0x89: {  	s3 =	sld [smem:$0x3FFE];
	_ =	sdelay $0x1  }
0x8a: {  	s1 =	srdreg.scid  }
0x8b: {  	s0 =	sand.u32 $0x1, s1  }
0x8c: {  	s16 =	sshll.u32 s0, $0xA;
	s2 =	sadd.s32 s3, s2  }
0x8d: {  	s2 =	sadd.s32 s2, s16  }
0x8e: {  	[smem:$0x3FB5] =	sst s2  }
0x8f: {  	_ = 	snop  }
0x90: {  	(tm) =	ssettm $0x1  }
0x91: {  	s17 =	sld [smem:$0x3FFB];
	_ =	sdelay $0x3  }
0x92: {  	_ =	strace s17  }
0x93: {  	s2 =	sld [smem:$0x3FFC];
	_ =	sdelay $0x3  }
0x94: {  	_ =	strace s2  }
0x95: {  	s2 =	sld [smem:$0x3FFD];
	_ =	sdelay $0x3  }
0x96: {  	_ =	strace s2  }
0x97: {  	_ =	strace $0x8FFFFFFF  }
0x98: {  	s18 =	sld [smem:$0x3FDB];
	_ =	sdelay $0x1  }
0x99: {  	s19 =	simm.s32 $_scs_section_size  }
0x9a: {  	s4 =	simm.s32 $_size__tile_overlayer_lowered;
	s5 =	simm.s32 $_tile_overlayer_lowered  }
0x9b: {  	s22 =	simm.s32 $0x1BFF;
	s21 =	sshll.u32 s5, $0x1;
	s2 =	sadd.s32 s19, s18  }
0x9c: {  	s6 =	simm.s32 $0x0;
	s20 =	sshll.u32 s4, $0x1;
	s4 =	sadd.s32 s21, s2  }
0x9d: {  	[timem:s6], [sflag:s22] =	dma.local [hbm:s4], s20  }
0x9e: {  	_ =	swait.ge [sflag:s22], s20  }
0x9f: {  	s3 =	ssub.s32 $0x0, s20;
	[sflag:s22] =	ssyncset.done $0x0  }
0xa0: {  	[sflag:s22] =	ssyncadd.s32 s3;
	_ =	sdelay $0x1  }
0xa1: {  	s23 =	simm.s32 $0x1B8B  }
0xa2: {  	_ =	swait.ge [sflag:s23], $0x1  }
0xa3: {  	[sflag:s23] =	ssyncset.done $0x0  }
0xa4: {  	s25 =	simm.s32 $0x1B8E;
	s24 =	sld [smem:$0x3FFE];
	[sflag:s23] =	ssyncadd.s32 $0xFFFFFFFF  }
0xa5: {  	s26 =	simm.s32 $execute0_lowered;
	[smem:$0x3FD2] =	sst s25  }
0xa6: {  	s4 =	sshll.u32 s26, $0x1;
	_ =	strace $0x80000049;
	[dreg:$0x1] =	wrdreg $0xFFFFFFFF  }
0xa7: {  	s28 =	simm.s32 $_size_execute0_lowered;
	s2 =	sadd.s32 s2, s4;
	[dreg:$0x0] =	wrdreg $0x0  }
0xa8: {  	s4 =	sshll.u32 s28, $0x1;
	[dreg:$0x2] =	wrdreg s2  }
0xa9: {  	[dreg:$0x3] =	wrdreg s4  }
0xaa: {  	[dreg:$0x4] =	wrdreg $0xC0  }
0xab: {  	_ =	task [dreg:s6], $0x5FFFF  }
0xac: {  	[dreg:$0x1] =	wrdreg $0xFFFFFFFF  }
0xad: {  	[dreg:$0x0] =	wrdreg $0x60  }
0xae: {  	[dreg:$0x2] =	wrdreg s24  }
0xaf: {  	[dreg:$0x3] =	wrdreg $0x0  }
0xb0: {  	[dreg:$0x4] =	wrdreg $0x9  }
0xb1: {  	_ =	task.clear_ibuf [dreg:s6], $0x5FFFF;
	_ =	strace $0x90000049  }
0xb2: {  	s29 =	simm.s32 $0x9;
	_ =	strace $0x8000004B  }
0xb3: {  	_ =	swait.ge [sflag:s29], $0x1  }
0xb4: {  	[sflag:s29] =	ssyncadd.s32 $0xFFFFFFFF  }
0xb5: {  	_ =	strace $0x9000004B  }
0xb6: {  	_ =	sfence  }
0xb7: {  	s30 =	sld [smem:$0x0];
	_ =	sdelay $0x2  }
0xb8: {  	s31 =	sshll.u32 s1, $0xD;
	s1 =	sshrl.u32 s1, $0x2  }
0xb9: {  	s3 =	sand.u32 $0x4000, s31;
	s1 =	sadd.s32 s1, s30  }
0xba: {  	s0 =	sor.u32 s3, s0;
	s1 =	sshll.u32 s1, $0x11  }
0xbb: {  	s0 =	sor.u32 s1, s0  }
0xbc: {  	s0 =	sadd.s32 $0x8F2B, s0  }
0xbd: {  	[sflag:s0] =	ssyncadd.remote.s32 $0x1  }
0xbe: {  	_ =	sfence.sel $0xFFFF  }
0xbf: {  	[dreg:$0x0] =	wrdreg $0xFFFFFFFF;
	(pc) =	sbr.abs _section_cstart, $3  }
0xc0: {  	[dreg:$0x1] =	wrdreg $0xFFFFFFFF  }
0xc1: {  	_ =	task.clear_ibuf [dreg:s6], $0x2FFFF;
	_ =	strace $0x9FFFFFFF  }
0xc2: {  	(tm) =	ssettm $0x7FFFFFFF  }
0xc3: {  	_ =	shalt  }
tec
execute0_lowered:
.L_overlay_start_1:
0x0: {  	(tag) =	ssettag $0x1  }
0x1: {  	s9 =	rddreg [dreg:$0x0]  }
0x2: {  	s1 =	rddreg [dreg:$0x1]  }
0x3: {  	s0 =	rddreg [dreg:$0x2];
	s2 =	simm.s32 $0x0  }
0x4: {  	s5 =	srdreg.scid;
	s12 =	simm.s32 $0xA5E00;
	s14 =	simm.s32 $0x16000  }
0x5: {  	[smem:$0x7FF] =	sst s2;
	s3 =	sadd.s32 $0x2DE00, s9;
	s4 =	sadd.s32 $0x19E00, s9  }
0x6: {  	s7 =	sand.u32 $0x1, s5;
	s5 =	sadd.s32 $0x5E00, s9;
	_ =	strace $0x8000004A  }
0x7: {  	[dreg:$0x4] =	wrdreg s3;
	s3 =	stileid.u32;
	s8 =	ssub.s32 $0x2, s7  }
0x8: {  	s10 =	sshll.u32 s7, $0x4;
	p0 =	seq.s32 s7, $0x1;
	s6 =	smul.u32 $0x50000, s3  }
0x9: {  	s11 =	sshrl.u32 s8, $0x1;
	s10 =	sor.u32 s3, s10;
	s13 =	smul.u32 $0x2800, s3  }
0xa: {  	s12 =	simm.s32 @!p0 $0x7DE00;
	s11 =	ssub.s32 s8, s11;
	s30 =	smul.u32 $0xA00, s10  }
0xb: {  	s10 =	smul.u32 $0x5000, s10;
	s31 =	sadd.s32 s12, s9;
	s12 =	simm.s32 $0x7  }
0xc: {  	s6 =	sshrl.u32 s6, $0x2;
	s9 =	smax.u32 s11, $0x1;
	s11 =	simm.s32 $0x1C000  }
0xd: {  	s6 =	sadd.s32 s6, s1;
	s7 =	sadd.s32 s4, s30;
	s8 =	sadd.s32 s5, s30  }
0xe: {  	v0 =	vimm.f32 $0.0e+00;
	[dreg:$0x3] =	wrdreg s10;
	s10 =	sadd.s32 s31, s13;
	s13 =	simm.s32 $0x14000  }
.LBB2_1:
0xf: {  	[tilespmem:$0x1C000] =	vst v0  }
0x10: {  	[tilespmem:$0x1C010] =	vst v0  }
0x11: {  	[tilespmem:$0x1C020] =	vst v0  }
0x12: {  	[tilespmem:$0x1C030] =	vst v0  }
0x13: {  	[tilespmem:$0x1C040] =	vst v0  }
0x14: {  	[tilespmem:$0x1C050] =	vst v0  }
0x15: {  	[tilespmem:$0x1C060] =	vst v0  }
0x16: {  	[tilespmem:$0x1C070] =	vst v0  }
0x17: {  	[tilespmem:$0x1C080] =	vst v0  }
0x18: {  	[tilespmem:$0x1C090] =	vst v0  }
0x19: {  	[tilespmem:$0x1C0A0] =	vst v0  }
0x1a: {  	[tilespmem:$0x1C0B0] =	vst v0  }
0x1b: {  	[tilespmem:$0x1C0C0] =	vst v0  }
0x1c: {  	[tilespmem:$0x1C0D0] =	vst v0  }
0x1d: {  	[tilespmem:$0x1C0E0] =	vst v0  }
0x1e: {  	[tilespmem:$0x1C0F0] =	vst v0  }
0x1f: {  	[tilespmem:$0x1C100] =	vst v0  }
0x20: {  	[tilespmem:$0x1C110] =	vst v0  }
0x21: {  	[tilespmem:$0x1C120] =	vst v0  }
0x22: {  	[tilespmem:$0x1C130] =	vst v0  }
0x23: {  	[tilespmem:$0x1C140] =	vst v0  }
0x24: {  	[tilespmem:$0x1C150] =	vst v0  }
0x25: {  	[tilespmem:$0x1C160] =	vst v0  }
0x26: {  	[tilespmem:$0x1C170] =	vst v0  }
0x27: {  	[tilespmem:$0x1C180] =	vst v0  }
0x28: {  	[tilespmem:$0x1C190] =	vst v0  }
0x29: {  	[tilespmem:$0x1C1A0] =	vst v0  }
0x2a: {  	[tilespmem:$0x1C1B0] =	vst v0  }
0x2b: {  	[tilespmem:$0x1C1C0] =	vst v0  }
0x2c: {  	[tilespmem:$0x1C1D0] =	vst v0  }
0x2d: {  	[tilespmem:$0x1C1E0] =	vst v0  }
0x2e: {  	[tilespmem:$0x1C1F0] =	vst v0  }
0x2f: {  	[tilespmem:$0x1C200] =	vst v0  }
0x30: {  	[tilespmem:$0x1C210] =	vst v0  }
0x31: {  	[tilespmem:$0x1C220] =	vst v0  }
0x32: {  	[tilespmem:$0x1C230] =	vst v0  }
0x33: {  	[tilespmem:$0x1C240] =	vst v0  }
0x34: {  	[tilespmem:$0x1C250] =	vst v0  }
0x35: {  	[tilespmem:$0x1C260] =	vst v0  }
0x36: {  	[tilespmem:$0x1C270] =	vst v0  }
0x37: {  	[tilespmem:$0x1C280] =	vst v0  }
0x38: {  	[tilespmem:$0x1C290] =	vst v0  }
0x39: {  	[tilespmem:$0x1C2A0] =	vst v0  }
0x3a: {  	[tilespmem:$0x1C2B0] =	vst v0  }
0x3b: {  	[tilespmem:$0x1C2C0] =	vst v0  }
0x3c: {  	[tilespmem:$0x1C2D0] =	vst v0  }
0x3d: {  	[tilespmem:$0x1C2E0] =	vst v0  }
0x3e: {  	[tilespmem:$0x1C2F0] =	vst v0  }
0x3f: {  	[tilespmem:$0x1C300] =	vst v0  }
0x40: {  	[tilespmem:$0x1C310] =	vst v0  }
0x41: {  	[tilespmem:$0x1C320] =	vst v0  }
0x42: {  	[tilespmem:$0x1C330] =	vst v0  }
0x43: {  	[tilespmem:$0x1C340] =	vst v0  }
0x44: {  	[tilespmem:$0x1C350] =	vst v0  }
0x45: {  	[tilespmem:$0x1C360] =	vst v0  }
0x46: {  	[tilespmem:$0x1C370] =	vst v0  }
0x47: {  	[tilespmem:$0x1C380] =	vst v0  }
0x48: {  	[tilespmem:$0x1C390] =	vst v0  }
0x49: {  	[tilespmem:$0x1C3A0] =	vst v0  }
0x4a: {  	[tilespmem:$0x1C3B0] =	vst v0  }
0x4b: {  	[tilespmem:$0x1C3C0] =	vst v0  }
0x4c: {  	[tilespmem:$0x1C3D0] =	vst v0  }
0x4d: {  	[tilespmem:$0x1C3E0] =	vst v0  }
0x4e: {  	[tilespmem:$0x1C3F0] =	vst v0  }
0x4f: {  	[tilespmem:$0x1C400] =	vst v0  }
0x50: {  	[tilespmem:$0x1C410] =	vst v0  }
0x51: {  	[tilespmem:$0x1C420] =	vst v0  }
0x52: {  	[tilespmem:$0x1C430] =	vst v0  }
0x53: {  	[tilespmem:$0x1C440] =	vst v0  }
0x54: {  	[tilespmem:$0x1C450] =	vst v0  }
0x55: {  	[tilespmem:$0x1C460] =	vst v0  }
0x56: {  	[tilespmem:$0x1C470] =	vst v0  }
0x57: {  	[tilespmem:$0x1C480] =	vst v0  }
0x58: {  	[tilespmem:$0x1C490] =	vst v0  }
0x59: {  	[tilespmem:$0x1C4A0] =	vst v0  }
0x5a: {  	[tilespmem:$0x1C4B0] =	vst v0  }
0x5b: {  	[tilespmem:$0x1C4C0] =	vst v0  }
0x5c: {  	[tilespmem:$0x1C4D0] =	vst v0  }
0x5d: {  	[tilespmem:$0x1C4E0] =	vst v0  }
0x5e: {  	[tilespmem:$0x1C4F0] =	vst v0  }
0x5f: {  	[tilespmem:$0x1C500] =	vst v0  }
0x60: {  	[tilespmem:$0x1C510] =	vst v0  }
0x61: {  	[tilespmem:$0x1C520] =	vst v0  }
0x62: {  	[tilespmem:$0x1C530] =	vst v0  }
0x63: {  	[tilespmem:$0x1C540] =	vst v0  }
0x64: {  	[tilespmem:$0x1C550] =	vst v0  }
0x65: {  	[tilespmem:$0x1C560] =	vst v0  }
0x66: {  	[tilespmem:$0x1C570] =	vst v0  }
0x67: {  	[tilespmem:$0x1C580] =	vst v0  }
0x68: {  	[tilespmem:$0x1C590] =	vst v0  }
0x69: {  	[tilespmem:$0x1C5A0] =	vst v0  }
0x6a: {  	[tilespmem:$0x1C5B0] =	vst v0  }
0x6b: {  	[tilespmem:$0x1C5C0] =	vst v0  }
0x6c: {  	[tilespmem:$0x1C5D0] =	vst v0  }
0x6d: {  	[tilespmem:$0x1C5E0] =	vst v0  }
0x6e: {  	[tilespmem:$0x1C5F0] =	vst v0  }
0x6f: {  	[tilespmem:$0x1C600] =	vst v0  }
0x70: {  	[tilespmem:$0x1C610] =	vst v0  }
0x71: {  	[tilespmem:$0x1C620] =	vst v0  }
0x72: {  	[tilespmem:$0x1C630] =	vst v0  }
0x73: {  	[tilespmem:$0x1C640] =	vst v0  }
0x74: {  	[tilespmem:$0x1C650] =	vst v0  }
0x75: {  	[tilespmem:$0x1C660] =	vst v0  }
0x76: {  	[tilespmem:$0x1C670] =	vst v0  }
0x77: {  	[tilespmem:$0x1C680] =	vst v0  }
0x78: {  	[tilespmem:$0x1C690] =	vst v0  }
0x79: {  	[tilespmem:$0x1C6A0] =	vst v0  }
0x7a: {  	[tilespmem:$0x1C6B0] =	vst v0  }
0x7b: {  	[tilespmem:$0x1C6C0] =	vst v0  }
0x7c: {  	[tilespmem:$0x1C6D0] =	vst v0  }
0x7d: {  	[tilespmem:$0x1C6E0] =	vst v0  }
0x7e: {  	[tilespmem:$0x1C6F0] =	vst v0  }
0x7f: {  	[tilespmem:$0x1C700] =	vst v0  }
0x80: {  	[tilespmem:$0x1C710] =	vst v0  }
0x81: {  	[tilespmem:$0x1C720] =	vst v0  }
0x82: {  	[tilespmem:$0x1C730] =	vst v0  }
0x83: {  	[tilespmem:$0x1C740] =	vst v0  }
0x84: {  	[tilespmem:$0x1C750] =	vst v0  }
0x85: {  	[tilespmem:$0x1C760] =	vst v0  }
0x86: {  	[tilespmem:$0x1C770] =	vst v0  }
0x87: {  	[tilespmem:$0x1C780] =	vst v0  }
0x88: {  	[tilespmem:$0x1C790] =	vst v0  }
0x89: {  	[tilespmem:$0x1C7A0] =	vst v0  }
0x8a: {  	[tilespmem:$0x1C7B0] =	vst v0  }
0x8b: {  	[tilespmem:$0x1C7C0] =	vst v0  }
0x8c: {  	[tilespmem:$0x1C7D0] =	vst v0  }
0x8d: {  	[tilespmem:$0x1C7E0] =	vst v0  }
0x8e: {  	[tilespmem:$0x1C7F0] =	vst v0;
	s15 =	sadd.s32 $0x0, s6  }
0x8f: {  	[spmem:s15] =	stream.linear.scatter [tilespmem:s11], [sflag:$0x7], $0x800, $0x38;
	[tilespmem:$0x1C800] =	vst v63  }
0x90: {  	s15 =	simm.s32 $0x2000;
	_ =	swait.ge [sflag:s12], $0x800  }
.LBB2_2:
0x91: {  	s16 =	sshra.s32 s15, $0x2;
	[sflag:s12] =	ssyncset.done $0x0;
	p0 =	sne.s32 s15, $0x4E000  }
.Ltmp0:
0x92: {  	s16 =	sadd.s32 s16, s6;
	[sflag:s12] =	ssyncadd.s32 $0xFFFFF800;
	(pc) =	sbr.rel @p0 .LBB2_2-.Ltmp0, $3  }
0x93: {  	[spmem:s16] =	stream.linear.scatter [tilespmem:s11], [sflag:$0x7], $0x800, $0x38;
	[tilespmem:$0x1C800] =	vst v63  }
0x94: {  	s15 =	sadd.s32 $0x2000, s15;
	_ =	sdelay $0x1  }
0x95: {  	_ =	swait.ge [sflag:s12], $0x800  }
0x96: {  	[sflag:s12] =	ssyncset.done $0x0  }
0x97: {  	s16 =	simm.s32 $0x0;
	[sflag:s12] =	ssyncadd.s32 $0xFFFFF800  }
0x98: {  	[tilespmem:s13], [sflag:$0x5] =	stream.linear.gather [hbm4b:s7+s16], $0x1000, $0x38;
	[tilespmem:$0x1C800] =	vst v63  }
0x99: {  	_ = 	snop  }
0x9a: {  	[tilespmem:s14], [sflag:$0x6] =	stream.linear.gather [hbm4b:s8+s16], $0x1000, $0x38;
	[tilespmem:$0x1C800] =	vst v63  }
0x9b: {  	s15 =	simm.s32 $0x3E00;
	[bflag:$0x0] =	sbarrier.arrive $0xFFFF  }
.LBB2_4:
0x9c: {  	s17 =	sand.u32 $0x1, s16;
	p2 =	slt.u32 s16, $0x2  }
0x9d: {  	s18 =	sand.u32 $0x1F, s16;
	p0 =	sgt.u32 s16, $0x9F;
	s19 =	sadd.s32 @!p2 $0x3, s17  }
0x9e: {  	p1 =	sne.s32 @!p0 s18, $0x0;
	_ =	swait.ge @!p2 [sflag:s19], $0x2000  }
0x9f: {  	p1 =	por p1, p0;
	[sflag:s19] =	ssyncset.done @!p2 $0x0  }
0xa0: {  	[sflag:s19] =	ssyncadd.s32 @!p2 $0xFFFFE000;
	s19 =	simm.s32 @!p1 $0x5  }
0xa1: {  	_ =	swait.ge @!p1 [sflag:s19], $0x1000  }
0xa2: {  	s20 =	sand.u32 $0x9F, s16;
	s21 =	sshrl.u32 s16, $0x5;
	[sflag:s19] =	ssyncset.done @!p1 $0x0  }
0xa3: {  	p2 =	sne.s32 s20, $0x2;
	[sflag:s19] =	ssyncadd.s32 @!p1 $0xFFFFF000;
	s19 =	simm.s32 @!p1 $0x6  }
0xa4: {  	s22 =	sshll.u32 @!p2 s21, $0xC;
	_ =	swait.ge @!p1 [sflag:s19], $0x1000  }
0xa5: {  	s22 =	sadd.s32 @!p2 $0x1000, s22;
	s20 =	rddreg [dreg:$0x3]  }
0xa6: {  	[sflag:s19] =	ssyncset.done @!p1 $0x0;
	s20 =	sadd.s32 @!p2 s20, s22  }
0xa7: {  	[sflag:s19] =	ssyncadd.s32 @!p1 $0xFFFFF000;
	s19 =	sand.u32 @!p2 $0x1000, s22;
	s20 =	sshrl.u32 @!p2 s20, $0x3  }
0xa8: {  	s24 =	simm.s32 @!p2 $0x0;
	s22 =	sor.u32 @!p2 $0x14000, s19;
	s23 =	sadd.s32 @!p2 s4, s20  }
0xa9: {  	[tilespmem:s22], [sflag:$0x5] =	stream.linear.gather @!p2 [hbm4b:s23+s24], $0x1000, $0x38;
	[tilespmem:$0x1C800] =	vst v63  }
0xaa: {  	s19 =	sor.u32 @!p2 $0x16000, s19;
	s20 =	sadd.s32 @!p2 s5, s20  }
0xab: {  	[tilespmem:s19], [sflag:$0x6] =	stream.linear.gather @!p2 [hbm4b:s20+s24], $0x1000, $0x38;
	[tilespmem:$0x1C800] =	vst v63  }
0xac: {  	s30 =	sxor.u32 $0xFFFFFFFF, s16;
	s31 =	sadd.s32 $0xFFFFFFFF, s16;
	s20 =	sshll.u32 @!p0 s21, $0xC  }
0xad: {  	s18 =	sshll.u32 @!p0 s18, $0x7;
	s19 =	sshll.u32 @!p0 s17, $0xD;
	s20 =	sand.u32 @!p0 $0x1000, s20  }
0xae: {  	s21 =	rddreg [dreg:$0x4];
	s17 =	sadd.s32 @!p0 $0x1, s17;
	s18 =	sor.u32 @!p0 s18, s20  }
0xaf: {  	s19 =	sor.u32 @!p0 $0x18000, s19;
	s20 =	simm.s32 @!p0 $0x40;
	s18 =	sor.u32 @!p0 $0x14000, s18  }
0xb0: {  	[tilespmem:s19], [sflag:s17] =	stream.indirect.gather @!p0 [hbm4b:s21+s20], $0x80, s18, s20, $0xb8;
	[tilespmem:$0x1C800] =	vst v63  }
0xb1: {  	s17 =	sand.u32 $0x1, s30;
	p0 =	sgt.u32 s31, $0x9F  }
0xb2: {  	s18 =	sadd.s32 @!p0 $0x1, s17  }
0xb3: {  	s16 =	sadd.s32 $0x2, s31;
	s19 =	sand.u32 @!p0 $0x7E00, s15;
	_ =	swait.ge @!p0 [sflag:s18], $0x2000  }
0xb4: {  	s20 =	sshll.u32 @!p0 s17, $0xD;
	s19 =	sxor.u32 @!p0 $0x4000, s19;
	[sflag:s18] =	ssyncset.done @!p0 $0x0  }
0xb5: {  	s17 =	sadd.s32 @!p0 $0x3, s17;
	[sflag:s18] =	ssyncadd.s32 @!p0 $0xFFFFE000;
	s18 =	sshrl.u32 @!p0 s19, $0x2  }
0xb6: {  	s20 =	sor.u32 @!p0 $0x18000, s20;
	s19 =	simm.s32 @!p0 $0x40;
	s18 =	sor.u32 @!p0 $0x16000, s18  }
0xb7: {  	[spmem:s1] =	stream.indirect.scatter.add.f32 @!p0 [tilespmem:s20], [sflag:s17], $0x80, s18, s19, $0xb8;
	[tilespmem:$0x1C800] =	vst v63  }
0xb8: {  	p0 =	sne.s32 s16, $0xA2  }
.Ltmp1:
0xb9: {  	_ = 	snop;
	(pc) =	sbr.rel @p0 .LBB2_4-.Ltmp1, $2  }
0xba: {  	_ =	sdelay $0x2  }
0xbb: {  	s15 =	sadd.s32 $0x200, s15  }
0xbc: {  	s2 =	sadd.s32 $0x1, s2  }
0xbd: {  	s15 =	sshll.u32 s3, $0x6;
	[bflag:$0x0] =	sbarrier.arrive $0xFFFF;
	p0 =	sne.s32 s2, s9  }
.Ltmp2:
0xbe: {  	s16 =	sshrl.u32 s6, $0x3;
	s15 =	sor.u32 $0x1C07, s15;
	(pc) =	sbr.rel @p0 .LBB2_1-.Ltmp2, $4  }
0xbf: {  	[hbm:s10], [sflag:s15] =	dma.local [spmem:s16], $0x2800  }
0xc0: {  	_ =	swait.ge [sflag:s12], $0x2800  }
0xc1: {  	[sflag:s12] =	ssyncset.done $0x0  }
0xc2: {  	[sflag:s12] =	ssyncadd.s32 $0xFFFFD800  }
0xc3: {  	_ =	sfence.sel $0x180000  }
0xc4: {  	[bflag:$0x0] =	sbarrier.arrive $0xFFFF  }
0xc5: {  	p0 =	sne.s32 s3, $0x0;
	_ =	strace $0x9000004A  }
0xc6: {  	s0 =	sadd.s32 @!p0 $0x100000, s0;
	[bflag:$0x2] =	sbarrier.arrive $0xFFFF  }
0xc7: {  	[sflag:s0] =	ssyncadd.tile.s32 @!p0 $0x1;
	_ =	shalt  }
.Lfunc_end2:
_tile_overlayer_lowered:
.L_overlay_start_2:
0xc8: {  	(tag) =	ssettag $0x2  }
0xc9: {  	s0 =	rddreg [dreg:$0x0];
	s2 =	stileid.u32  }
0xca: {  	s1 =	rddreg [dreg:$0x1];
	p0 =	sne.s32 s2, $0x0  }
0xcb: {  	s3 =	rddreg [dreg:$0x2];
	[bflag:$0x3] =	sbarrier.arrive $0xFFFF;
	s2 =	simm.s32 @!p0 $0x1C07  }
0xcc: {  	[timem:s3], [sflag:s2] =	dma.local @!p0 [hbm:s0], s1  }
0xcd: {  	s0 =	simm.s32 @!p0 $0x7  }
0xce: {  	_ =	swait.ge @!p0 [sflag:s0], s1  }
0xcf: {  	s1 =	ssub.s32 @!p0 $0x0, s1;
	[sflag:s0] =	ssyncset.done @!p0 $0x0  }
0xd0: {  	[sflag:s0] =	ssyncadd.s32 @!p0 s1  }
0xd1: {  	[bflag:$0x3] =	sbarrier.arrive $0xFFFF  }
0xd2: {  	_ =	shalt  }

// kernel: kernel.15.cloned.1.call-start
scs
__scs_entry_jumppad:
0x0: {  	(pc) =	sbr.rel $0x88, $3  }
0x1: {  	(tag) =	ssettag $0x0;
	lr =	simm.s32 $0x1  }
0x2: {  	[smem:$0x3F8E] =	sst lr;
	_ =	strace $0xD0000000  }
0x3: {  	_ = 	snop  }
0x4: {  	_ = 	snop  }
0x5: {  	_ = 	snop  }
0x6: {  	_ = 	snop  }
0x7: {  	_ = 	snop  }
__scs_overlays_trampoline_lowered:
0x8: {  	[smem:$0x3F9D] =	sst s0  }
0x9: {  	[smem:$0x3F9E] =	sst s1  }
0xa: {  	[smem:$0x3F9F] =	sst s2  }
0xb: {  	[smem:$0x3FA0] =	sst s3  }
0xc: {  	[smem:$0x3FA1] =	sst s4  }
0xd: {  	[smem:$0x3FA2] =	sst s5  }
0xe: {  	[smem:$0x3FA3] =	sst s6  }
0xf: {  	[smem:$0x3FA4] =	sst s7  }
0x10: {  	[smem:$0x3FA5] =	sst s8  }
0x11: {  	[smem:$0x3FA6] =	sst s9;
	s0 =	simm.s32 @!p0 $0x0  }
0x12: {  	s1 =	sld [smem:$0x3F8C];
	s0 =	simm.s32 @p0 $0x1  }
0x13: {  	[smem:$0x3FA7] =	sst s0;
	s0 =	simm.s32 @!p1 $0x0  }
0x14: {  	s2 =	sld [smem:$0x3F8B];
	s0 =	simm.s32 @p1 $0x1  }
0x15: {  	[smem:$0x3FA8] =	sst s0;
	s0 =	simm.s32 @!p2 $0x0  }
0x16: {  	s3 =	sld [smem:$0x3FDB];
	s0 =	simm.s32 @p2 $0x1  }
0x17: {  	s4 =	simm.s32 $0x1BF5;
	[smem:$0x3FAA] =	sst s0  }
0x18: {  	s0 =	sld [smem:$0x3F8D];
	_ =	swait.ge [sflag:s4], $0x0  }
0x19: {  	s7 =	sld [smem:$0x3F8E]  }
0x1a: {  	s8 =	sadd.s32 $0xFFFFE003, lr  }
0x1b: {  	s9 =	sadd.s32 $0xFFFFFEF7, lr;
	s5 =	simm.s32 $0xFFFFFFFF;
	p2 =	slt.u32 s8, $0xFFFFF086  }
0x1c: {  	p1 =	slt.u32 s9, $0xF7A;
	s5 =	simm.s32 @!p2 $0x0  }
0x1d: {  	s5 =	simm.s32 @p1 $0x1;
	p0 =	seq.s32 s7, s2  }
0x1e: {  	s7 =	smul.u32 @!p0 $0xF7A, s2;
	p2 =	seq.s32 @!p0 s5, $0x0  }
0x1f: {  	s9 =	smul.u32 $0xF7A, s1;
	s8 =	simm.s32 @!p0 $0x1BF5;
	p2 =	por !p2, p0  }
0x20: {  	[sflag:s8] =	ssyncset.s32 @!p0 $0xFFFFF086;
	s6 =	sadd.s32 @!p0 s3, s7;
	s7 =	simm.s32 @!p0 $0x108  }
0x21: {  	s3 =	sadd.s32 s3, s9;
	s6 =	sadd.s32 @!p0 $0x88, s6;
	s7 =	simm.s32 @p2 $0x1082  }
0x22: {  	[simem:s7], [sflag:s8] =	dma.local @!p0 [hbm:s6], $0xF7A  }
0x23: {  	s9 =	sor.u32 $0xD0000000, s2;
	s6 =	simm.s32 $0x108;
	_ =	swait.ge @!p0 [sflag:s8], $0x0  }
0x24: {  	s3 =	sadd.s32 $0x88, s3;
	s6 =	simm.s32 @!p1 $0x1082;
	[sflag:s4] =	ssyncset.s32 $0xFFFFF086  }
0x25: {  	[simem:s6], [sflag:s4] =	dma.local [hbm:s3], $0xF7A  }
0x26: {  	[smem:$0x3F8E] =	sst s1;
	(tag) =	ssettag s2;
	_ =	strace s9  }
0x27: {  	s1 =	sld [smem:$0x3F9E]  }
0x28: {  	s2 =	sld [smem:$0x3F9F]  }
0x29: {  	s4 =	sld [smem:$0x3FA1]  }
0x2a: {  	p0 =	seq.s32 s5, $0x0;
	s5 =	sld [smem:$0x3FA2]  }
0x2b: {  	s6 =	sld [smem:$0x3FA3]  }
0x2c: {  	s7 =	sld [smem:$0x3FA4]  }
0x2d: {  	s3 =	simm.s32 $0x108;
	s8 =	sld [smem:$0x3FA5]  }
0x2e: {  	s3 =	simm.s32 @!p0 $0x1082;
	s9 =	sld [smem:$0x3FA6]  }
0x2f: {  	lr =	sadd.s32 s0, s3;
	s0 =	sld [smem:$0x3F9D]  }
0x30: {  	s3 =	sld [smem:$0x3FA0]  }
0x31: {  	[smem:$0x3FA9] =	sst s10  }
0x32: {  	s10 =	sld [smem:$0x3FA7];
	_ =	sdelay $0x3  }
0x33: {  	p0 =	seq.s32 s10, $0x1;
	s10 =	sld [smem:$0x3FA9];
	_ =	sdelay $0x3  }
0x34: {  	[smem:$0x3FA9] =	sst s10  }
0x35: {  	s10 =	sld [smem:$0x3FA8];
	_ =	sdelay $0x3  }
0x36: {  	p1 =	seq.s32 s10, $0x1;
	s10 =	sld [smem:$0x3FA9];
	_ =	sdelay $0x3  }
0x37: {  	[smem:$0x3FA9] =	sst s10  }
0x38: {  	s10 =	sld [smem:$0x3FAA]  }
0x39: {  	_ = 	snop;
	(pc) =	sbr.ind lr, $3  }
0x3a: {  	_ = 	snop  }
0x3b: {  	_ = 	snop  }
0x3c: {  	p2 =	seq.s32 s10, $0x1;
	s10 =	sld [smem:$0x3FA9]  }
0x3d: {  	_ =	shalt  }
0x3e: {  	_ =	shalt  }
0x3f: {  	_ =	shalt  }
0x40: {  	_ =	shalt  }
0x41: {  	_ =	shalt  }
0x42: {  	_ =	shalt  }
0x43: {  	_ =	shalt  }
0x44: {  	_ =	shalt  }
0x45: {  	_ =	shalt  }
0x46: {  	_ =	shalt  }
0x47: {  	_ =	shalt  }
0x48: {  	_ =	shalt  }
0x49: {  	_ =	shalt  }
0x4a: {  	_ =	shalt  }
0x4b: {  	_ =	shalt  }
0x4c: {  	_ =	shalt  }
0x4d: {  	_ =	shalt  }
0x4e: {  	_ =	shalt  }
0x4f: {  	_ =	shalt  }
0x50: {  	_ =	shalt  }
0x51: {  	_ =	shalt  }
0x52: {  	_ =	shalt  }
0x53: {  	_ =	shalt  }
0x54: {  	_ =	shalt  }
0x55: {  	_ =	shalt  }
0x56: {  	_ =	shalt  }
0x57: {  	_ =	shalt  }
0x58: {  	_ =	shalt  }
0x59: {  	_ =	shalt  }
0x5a: {  	_ =	shalt  }
0x5b: {  	_ =	shalt  }
0x5c: {  	_ =	shalt  }
0x5d: {  	_ =	shalt  }
0x5e: {  	_ =	shalt  }
0x5f: {  	_ =	shalt  }
0x60: {  	_ =	shalt  }
0x61: {  	_ =	shalt  }
0x62: {  	_ =	shalt  }
0x63: {  	_ =	shalt  }
0x64: {  	_ =	shalt  }
0x65: {  	_ =	shalt  }
0x66: {  	_ =	shalt  }
0x67: {  	_ =	shalt  }
0x68: {  	_ =	shalt  }
0x69: {  	_ =	shalt  }
0x6a: {  	_ =	shalt  }
0x6b: {  	_ =	shalt  }
0x6c: {  	_ =	shalt  }
0x6d: {  	_ =	shalt  }
0x6e: {  	_ =	shalt  }
0x6f: {  	_ =	shalt  }
0x70: {  	_ =	shalt  }
0x71: {  	_ =	shalt  }
0x72: {  	_ =	shalt  }
0x73: {  	_ =	shalt  }
0x74: {  	_ =	shalt  }
0x75: {  	_ =	shalt  }
0x76: {  	_ =	shalt  }
0x77: {  	_ =	shalt  }
0x78: {  	_ =	shalt  }
0x79: {  	_ =	shalt  }
0x7a: {  	_ =	shalt  }
0x7b: {  	_ =	shalt  }
0x7c: {  	_ =	shalt  }
0x7d: {  	_ =	shalt  }
0x7e: {  	_ =	shalt  }
0x7f: {  	_ =	shalt  }
0x80: {  	_ =	shalt  }
0x81: {  	_ =	shalt  }
0x82: {  	_ =	shalt  }
0x83: {  	_ =	shalt  }
0x84: {  	_ =	shalt  }
0x85: {  	_ =	shalt  }
0x86: {  	_ =	shalt  }
0x87: {  	_ =	shalt  }
.Lfunc_end0:
.L_simem_size_0:
called_computation.2_lowered:
.L_overlay_start_0:
0x88: {  	s2 =	sld [smem:$0x3FD9]  }
0x89: {  	s3 =	sld [smem:$0x3FFE];
	_ =	sdelay $0x1  }
0x8a: {  	s1 =	srdreg.scid  }
0x8b: {  	s0 =	sand.u32 $0x1, s1  }
0x8c: {  	s16 =	sshll.u32 s0, $0xA;
	s2 =	sadd.s32 s3, s2  }
0x8d: {  	s2 =	sadd.s32 s2, s16  }
0x8e: {  	[smem:$0x3FB5] =	sst s2  }
0x8f: {  	_ = 	snop  }
0x90: {  	(tm) =	ssettm $0x1  }
0x91: {  	s17 =	sld [smem:$0x3FFB];
	_ =	sdelay $0x3  }
0x92: {  	_ =	strace s17  }
0x93: {  	s2 =	sld [smem:$0x3FFC];
	_ =	sdelay $0x3  }
0x94: {  	_ =	strace s2  }
0x95: {  	s2 =	sld [smem:$0x3FFD];
	_ =	sdelay $0x3  }
0x96: {  	_ =	strace s2  }
0x97: {  	_ =	strace $0x8FFFFFFF  }
0x98: {  	s18 =	sld [smem:$0x3FDB];
	_ =	sdelay $0x1  }
0x99: {  	s19 =	simm.s32 $_scs_section_size  }
0x9a: {  	s4 =	simm.s32 $_size__tile_overlayer_lowered;
	s5 =	simm.s32 $_tile_overlayer_lowered  }
0x9b: {  	s22 =	simm.s32 $0x1BFF;
	s21 =	sshll.u32 s5, $0x1;
	s2 =	sadd.s32 s19, s18  }
0x9c: {  	s6 =	simm.s32 $0x0;
	s20 =	sshll.u32 s4, $0x1;
	s4 =	sadd.s32 s21, s2  }
0x9d: {  	[timem:s6], [sflag:s22] =	dma.local [hbm:s4], s20  }
0x9e: {  	_ =	swait.ge [sflag:s22], s20  }
0x9f: {  	s3 =	ssub.s32 $0x0, s20;
	[sflag:s22] =	ssyncset.done $0x0  }
0xa0: {  	[sflag:s22] =	ssyncadd.s32 s3;
	_ =	sdelay $0x1  }
0xa1: {  	s23 =	simm.s32 $0x1B8B  }
0xa2: {  	_ =	swait.ge [sflag:s23], $0x1  }
0xa3: {  	[sflag:s23] =	ssyncset.done $0x0  }
0xa4: {  	s25 =	simm.s32 $0x1B8E;
	s24 =	sld [smem:$0x3FFE];
	[sflag:s23] =	ssyncadd.s32 $0xFFFFFFFF  }
0xa5: {  	s26 =	simm.s32 $execute0_lowered;
	[smem:$0x3FD2] =	sst s25  }
0xa6: {  	s4 =	sshll.u32 s26, $0x1;
	_ =	strace $0x8000004C;
	[dreg:$0x1] =	wrdreg $0xFFFFFFFF  }
0xa7: {  	s28 =	simm.s32 $_size_execute0_lowered;
	s2 =	sadd.s32 s2, s4;
	[dreg:$0x0] =	wrdreg $0x0  }
0xa8: {  	s4 =	sshll.u32 s28, $0x1;
	[dreg:$0x2] =	wrdreg s2  }
0xa9: {  	[dreg:$0x3] =	wrdreg s4  }
0xaa: {  	[dreg:$0x4] =	wrdreg $0xC0  }
0xab: {  	_ =	task [dreg:s6], $0x5FFFF  }
0xac: {  	[dreg:$0x1] =	wrdreg $0xFFFFFFFF  }
0xad: {  	[dreg:$0x0] =	wrdreg $0x60  }
0xae: {  	[dreg:$0x2] =	wrdreg s24  }
0xaf: {  	[dreg:$0x3] =	wrdreg $0x0  }
0xb0: {  	[dreg:$0x4] =	wrdreg $0x9  }
0xb1: {  	_ =	task.clear_ibuf [dreg:s6], $0x5FFFF;
	_ =	strace $0x9000004C  }
0xb2: {  	s29 =	simm.s32 $0x9;
	_ =	strace $0x8000004E  }
0xb3: {  	_ =	swait.ge [sflag:s29], $0x1  }
0xb4: {  	[sflag:s29] =	ssyncadd.s32 $0xFFFFFFFF  }
0xb5: {  	_ =	strace $0x9000004E  }
0xb6: {  	_ =	sfence  }
0xb7: {  	s30 =	sld [smem:$0x0];
	_ =	sdelay $0x2  }
0xb8: {  	s31 =	sshll.u32 s1, $0xD;
	s1 =	sshrl.u32 s1, $0x2  }
0xb9: {  	s3 =	sand.u32 $0x4000, s31;
	s1 =	sadd.s32 s1, s30  }
0xba: {  	s0 =	sor.u32 s3, s0;
	s1 =	sshll.u32 s1, $0x11  }
0xbb: {  	s0 =	sor.u32 s1, s0  }
0xbc: {  	s0 =	sadd.s32 $0x8F2B, s0  }
0xbd: {  	[sflag:s0] =	ssyncadd.remote.s32 $0x1  }
0xbe: {  	_ =	sfence.sel $0xFFFF  }
0xbf: {  	[dreg:$0x0] =	wrdreg $0xFFFFFFFF;
	(pc) =	sbr.abs _section_cstart, $3  }
0xc0: {  	[dreg:$0x1] =	wrdreg $0xFFFFFFFF  }
0xc1: {  	_ =	task.clear_ibuf [dreg:s6], $0x2FFFF;
	_ =	strace $0x9FFFFFFF  }
0xc2: {  	(tm) =	ssettm $0x7FFFFFFF  }
0xc3: {  	_ =	shalt  }
tec
execute0_lowered:
.L_overlay_start_1:
0x0: {  	(tag) =	ssettag $0x1  }
0x1: {  	s9 =	rddreg [dreg:$0x0]  }
0x2: {  	s1 =	rddreg [dreg:$0x1]  }
0x3: {  	s0 =	rddreg [dreg:$0x2];
	s2 =	simm.s32 $0x0  }
0x4: {  	s5 =	srdreg.scid;
	s12 =	simm.s32 $0xA5E00;
	s14 =	simm.s32 $0x16000  }
0x5: {  	[smem:$0x7FF] =	sst s2;
	s3 =	sadd.s32 $0x2DE00, s9;
	s4 =	sadd.s32 $0x19E00, s9  }
0x6: {  	s7 =	sand.u32 $0x1, s5;
	s5 =	sadd.s32 $0x5E00, s9;
	_ =	strace $0x8000004D  }
0x7: {  	[dreg:$0x4] =	wrdreg s3;
	s3 =	stileid.u32;
	s8 =	ssub.s32 $0x2, s7  }
0x8: {  	s10 =	sshll.u32 s7, $0x4;
	p0 =	seq.s32 s7, $0x1;
	s6 =	smul.u32 $0x50000, s3  }
0x9: {  	s11 =	sshrl.u32 s8, $0x1;
	s10 =	sor.u32 s3, s10;
	s13 =	smul.u32 $0x2800, s3  }
0xa: {  	s12 =	simm.s32 @!p0 $0x7DE00;
	s11 =	ssub.s32 s8, s11;
	s30 =	smul.u32 $0xA00, s10  }
0xb: {  	s10 =	smul.u32 $0x5000, s10;
	s31 =	sadd.s32 s12, s9;
	s12 =	simm.s32 $0x7  }
0xc: {  	s6 =	sshrl.u32 s6, $0x2;
	s9 =	smax.u32 s11, $0x1;
	s11 =	simm.s32 $0x1C000  }
0xd: {  	s6 =	sadd.s32 s6, s1;
	s7 =	sadd.s32 s4, s30;
	s8 =	sadd.s32 s5, s30  }
0xe: {  	v0 =	vimm.f32 $0.0e+00;
	[dreg:$0x3] =	wrdreg s10;
	s10 =	sadd.s32 s31, s13;
	s13 =	simm.s32 $0x14000  }
.LBB2_1:
0xf: {  	[tilespmem:$0x1C000] =	vst v0  }
0x10: {  	[tilespmem:$0x1C010] =	vst v0  }
0x11: {  	[tilespmem:$0x1C020] =	vst v0  }
0x12: {  	[tilespmem:$0x1C030] =	vst v0  }
0x13: {  	[tilespmem:$0x1C040] =	vst v0  }
0x14: {  	[tilespmem:$0x1C050] =	vst v0  }
0x15: {  	[tilespmem:$0x1C060] =	vst v0  }
0x16: {  	[tilespmem:$0x1C070] =	vst v0  }
0x17: {  	[tilespmem:$0x1C080] =	vst v0  }
0x18: {  	[tilespmem:$0x1C090] =	vst v0  }
0x19: {  	[tilespmem:$0x1C0A0] =	vst v0  }
0x1a: {  	[tilespmem:$0x1C0B0] =	vst v0  }
0x1b: {  	[tilespmem:$0x1C0C0] =	vst v0  }
0x1c: {  	[tilespmem:$0x1C0D0] =	vst v0  }
0x1d: {  	[tilespmem:$0x1C0E0] =	vst v0  }
0x1e: {  	[tilespmem:$0x1C0F0] =	vst v0  }
0x1f: {  	[tilespmem:$0x1C100] =	vst v0  }
0x20: {  	[tilespmem:$0x1C110] =	vst v0  }
0x21: {  	[tilespmem:$0x1C120] =	vst v0  }
0x22: {  	[tilespmem:$0x1C130] =	vst v0  }
0x23: {  	[tilespmem:$0x1C140] =	vst v0  }
0x24: {  	[tilespmem:$0x1C150] =	vst v0  }
0x25: {  	[tilespmem:$0x1C160] =	vst v0  }
0x26: {  	[tilespmem:$0x1C170] =	vst v0  }
0x27: {  	[tilespmem:$0x1C180] =	vst v0  }
0x28: {  	[tilespmem:$0x1C190] =	vst v0  }
0x29: {  	[tilespmem:$0x1C1A0] =	vst v0  }
0x2a: {  	[tilespmem:$0x1C1B0] =	vst v0  }
0x2b: {  	[tilespmem:$0x1C1C0] =	vst v0  }
0x2c: {  	[tilespmem:$0x1C1D0] =	vst v0  }
0x2d: {  	[tilespmem:$0x1C1E0] =	vst v0  }
0x2e: {  	[tilespmem:$0x1C1F0] =	vst v0  }
0x2f: {  	[tilespmem:$0x1C200] =	vst v0  }
0x30: {  	[tilespmem:$0x1C210] =	vst v0  }
0x31: {  	[tilespmem:$0x1C220] =	vst v0  }
0x32: {  	[tilespmem:$0x1C230] =	vst v0  }
0x33: {  	[tilespmem:$0x1C240] =	vst v0  }
0x34: {  	[tilespmem:$0x1C250] =	vst v0  }
0x35: {  	[tilespmem:$0x1C260] =	vst v0  }
0x36: {  	[tilespmem:$0x1C270] =	vst v0  }
0x37: {  	[tilespmem:$0x1C280] =	vst v0  }
0x38: {  	[tilespmem:$0x1C290] =	vst v0  }
0x39: {  	[tilespmem:$0x1C2A0] =	vst v0  }
0x3a: {  	[tilespmem:$0x1C2B0] =	vst v0  }
0x3b: {  	[tilespmem:$0x1C2C0] =	vst v0  }
0x3c: {  	[tilespmem:$0x1C2D0] =	vst v0  }
0x3d: {  	[tilespmem:$0x1C2E0] =	vst v0  }
0x3e: {  	[tilespmem:$0x1C2F0] =	vst v0  }
0x3f: {  	[tilespmem:$0x1C300] =	vst v0  }
0x40: {  	[tilespmem:$0x1C310] =	vst v0  }
0x41: {  	[tilespmem:$0x1C320] =	vst v0  }
0x42: {  	[tilespmem:$0x1C330] =	vst v0  }
0x43: {  	[tilespmem:$0x1C340] =	vst v0  }
0x44: {  	[tilespmem:$0x1C350] =	vst v0  }
0x45: {  	[tilespmem:$0x1C360] =	vst v0  }
0x46: {  	[tilespmem:$0x1C370] =	vst v0  }
0x47: {  	[tilespmem:$0x1C380] =	vst v0  }
0x48: {  	[tilespmem:$0x1C390] =	vst v0  }
0x49: {  	[tilespmem:$0x1C3A0] =	vst v0  }
0x4a: {  	[tilespmem:$0x1C3B0] =	vst v0  }
0x4b: {  	[tilespmem:$0x1C3C0] =	vst v0  }
0x4c: {  	[tilespmem:$0x1C3D0] =	vst v0  }
0x4d: {  	[tilespmem:$0x1C3E0] =	vst v0  }
0x4e: {  	[tilespmem:$0x1C3F0] =	vst v0  }
0x4f: {  	[tilespmem:$0x1C400] =	vst v0  }
0x50: {  	[tilespmem:$0x1C410] =	vst v0  }
0x51: {  	[tilespmem:$0x1C420] =	vst v0  }
0x52: {  	[tilespmem:$0x1C430] =	vst v0  }
0x53: {  	[tilespmem:$0x1C440] =	vst v0  }
0x54: {  	[tilespmem:$0x1C450] =	vst v0  }
0x55: {  	[tilespmem:$0x1C460] =	vst v0  }
0x56: {  	[tilespmem:$0x1C470] =	vst v0  }
0x57: {  	[tilespmem:$0x1C480] =	vst v0  }
0x58: {  	[tilespmem:$0x1C490] =	vst v0  }
0x59: {  	[tilespmem:$0x1C4A0] =	vst v0  }
0x5a: {  	[tilespmem:$0x1C4B0] =	vst v0  }
0x5b: {  	[tilespmem:$0x1C4C0] =	vst v0  }
0x5c: {  	[tilespmem:$0x1C4D0] =	vst v0  }
0x5d: {  	[tilespmem:$0x1C4E0] =	vst v0  }
0x5e: {  	[tilespmem:$0x1C4F0] =	vst v0  }
0x5f: {  	[tilespmem:$0x1C500] =	vst v0  }
0x60: {  	[tilespmem:$0x1C510] =	vst v0  }
0x61: {  	[tilespmem:$0x1C520] =	vst v0  }
0x62: {  	[tilespmem:$0x1C530] =	vst v0  }
0x63: {  	[tilespmem:$0x1C540] =	vst v0  }
0x64: {  	[tilespmem:$0x1C550] =	vst v0  }
0x65: {  	[tilespmem:$0x1C560] =	vst v0  }
0x66: {  	[tilespmem:$0x1C570] =	vst v0  }
0x67: {  	[tilespmem:$0x1C580] =	vst v0  }
0x68: {  	[tilespmem:$0x1C590] =	vst v0  }
0x69: {  	[tilespmem:$0x1C5A0] =	vst v0  }
0x6a: {  	[tilespmem:$0x1C5B0] =	vst v0  }
0x6b: {  	[tilespmem:$0x1C5C0] =	vst v0  }
0x6c: {  	[tilespmem:$0x1C5D0] =	vst v0  }
0x6d: {  	[tilespmem:$0x1C5E0] =	vst v0  }
0x6e: {  	[tilespmem:$0x1C5F0] =	vst v0  }
0x6f: {  	[tilespmem:$0x1C600] =	vst v0  }
0x70: {  	[tilespmem:$0x1C610] =	vst v0  }
0x71: {  	[tilespmem:$0x1C620] =	vst v0  }
0x72: {  	[tilespmem:$0x1C630] =	vst v0  }
0x73: {  	[tilespmem:$0x1C640] =	vst v0  }
0x74: {  	[tilespmem:$0x1C650] =	vst v0  }
0x75: {  	[tilespmem:$0x1C660] =	vst v0  }
0x76: {  	[tilespmem:$0x1C670] =	vst v0  }
0x77: {  	[tilespmem:$0x1C680] =	vst v0  }
0x78: {  	[tilespmem:$0x1C690] =	vst v0  }
0x79: {  	[tilespmem:$0x1C6A0] =	vst v0  }
0x7a: {  	[tilespmem:$0x1C6B0] =	vst v0  }
0x7b: {  	[tilespmem:$0x1C6C0] =	vst v0  }
0x7c: {  	[tilespmem:$0x1C6D0] =	vst v0  }
0x7d: {  	[tilespmem:$0x1C6E0] =	vst v0  }
0x7e: {  	[tilespmem:$0x1C6F0] =	vst v0  }
0x7f: {  	[tilespmem:$0x1C700] =	vst v0  }
0x80: {  	[tilespmem:$0x1C710] =	vst v0  }
0x81: {  	[tilespmem:$0x1C720] =	vst v0  }
0x82: {  	[tilespmem:$0x1C730] =	vst v0  }
0x83: {  	[tilespmem:$0x1C740] =	vst v0  }
0x84: {  	[tilespmem:$0x1C750] =	vst v0  }
0x85: {  	[tilespmem:$0x1C760] =	vst v0  }
0x86: {  	[tilespmem:$0x1C770] =	vst v0  }
0x87: {  	[tilespmem:$0x1C780] =	vst v0  }
0x88: {  	[tilespmem:$0x1C790] =	vst v0  }
0x89: {  	[tilespmem:$0x1C7A0] =	vst v0  }
0x8a: {  	[tilespmem:$0x1C7B0] =	vst v0  }
0x8b: {  	[tilespmem:$0x1C7C0] =	vst v0  }
0x8c: {  	[tilespmem:$0x1C7D0] =	vst v0  }
0x8d: {  	[tilespmem:$0x1C7E0] =	vst v0  }
0x8e: {  	[tilespmem:$0x1C7F0] =	vst v0;
	s15 =	sadd.s32 $0x0, s6  }
0x8f: {  	[spmem:s15] =	stream.linear.scatter [tilespmem:s11], [sflag:$0x7], $0x800, $0x38;
	[tilespmem:$0x1C800] =	vst v63  }
0x90: {  	s15 =	simm.s32 $0x2000;
	_ =	swait.ge [sflag:s12], $0x800  }
.LBB2_2:
0x91: {  	s16 =	sshra.s32 s15, $0x2;
	[sflag:s12] =	ssyncset.done $0x0;
	p0 =	sne.s32 s15, $0x4E000  }
.Ltmp0:
0x92: {  	s16 =	sadd.s32 s16, s6;
	[sflag:s12] =	ssyncadd.s32 $0xFFFFF800;
	(pc) =	sbr.rel @p0 .LBB2_2-.Ltmp0, $3  }
0x93: {  	[spmem:s16] =	stream.linear.scatter [tilespmem:s11], [sflag:$0x7], $0x800, $0x38;
	[tilespmem:$0x1C800] =	vst v63  }
0x94: {  	s15 =	sadd.s32 $0x2000, s15;
	_ =	sdelay $0x1  }
0x95: {  	_ =	swait.ge [sflag:s12], $0x800  }
0x96: {  	[sflag:s12] =	ssyncset.done $0x0  }
0x97: {  	s16 =	simm.s32 $0x0;
	[sflag:s12] =	ssyncadd.s32 $0xFFFFF800  }
0x98: {  	[tilespmem:s13], [sflag:$0x5] =	stream.linear.gather [hbm4b:s7+s16], $0x1000, $0x38;
	[tilespmem:$0x1C800] =	vst v63  }
0x99: {  	_ = 	snop  }
0x9a: {  	[tilespmem:s14], [sflag:$0x6] =	stream.linear.gather [hbm4b:s8+s16], $0x1000, $0x38;
	[tilespmem:$0x1C800] =	vst v63  }
0x9b: {  	s15 =	simm.s32 $0x3E00;
	[bflag:$0x0] =	sbarrier.arrive $0xFFFF  }
.LBB2_4:
0x9c: {  	s17 =	sand.u32 $0x1, s16;
	p2 =	slt.u32 s16, $0x2  }
0x9d: {  	s18 =	sand.u32 $0x1F, s16;
	p0 =	sgt.u32 s16, $0x9F;
	s19 =	sadd.s32 @!p2 $0x3, s17  }
0x9e: {  	p1 =	sne.s32 @!p0 s18, $0x0;
	_ =	swait.ge @!p2 [sflag:s19], $0x2000  }
0x9f: {  	p1 =	por p1, p0;
	[sflag:s19] =	ssyncset.done @!p2 $0x0  }
0xa0: {  	[sflag:s19] =	ssyncadd.s32 @!p2 $0xFFFFE000;
	s19 =	simm.s32 @!p1 $0x5  }
0xa1: {  	_ =	swait.ge @!p1 [sflag:s19], $0x1000  }
0xa2: {  	s20 =	sand.u32 $0x9F, s16;
	s21 =	sshrl.u32 s16, $0x5;
	[sflag:s19] =	ssyncset.done @!p1 $0x0  }
0xa3: {  	p2 =	sne.s32 s20, $0x2;
	[sflag:s19] =	ssyncadd.s32 @!p1 $0xFFFFF000;
	s19 =	simm.s32 @!p1 $0x6  }
0xa4: {  	s22 =	sshll.u32 @!p2 s21, $0xC;
	_ =	swait.ge @!p1 [sflag:s19], $0x1000  }
0xa5: {  	s22 =	sadd.s32 @!p2 $0x1000, s22;
	s20 =	rddreg [dreg:$0x3]  }
0xa6: {  	[sflag:s19] =	ssyncset.done @!p1 $0x0;
	s20 =	sadd.s32 @!p2 s20, s22  }
0xa7: {  	[sflag:s19] =	ssyncadd.s32 @!p1 $0xFFFFF000;
	s19 =	sand.u32 @!p2 $0x1000, s22;
	s20 =	sshrl.u32 @!p2 s20, $0x3  }
0xa8: {  	s24 =	simm.s32 @!p2 $0x0;
	s22 =	sor.u32 @!p2 $0x14000, s19;
	s23 =	sadd.s32 @!p2 s4, s20  }
0xa9: {  	[tilespmem:s22], [sflag:$0x5] =	stream.linear.gather @!p2 [hbm4b:s23+s24], $0x1000, $0x38;
	[tilespmem:$0x1C800] =	vst v63  }
0xaa: {  	s19 =	sor.u32 @!p2 $0x16000, s19;
	s20 =	sadd.s32 @!p2 s5, s20  }
0xab: {  	[tilespmem:s19], [sflag:$0x6] =	stream.linear.gather @!p2 [hbm4b:s20+s24], $0x1000, $0x38;
	[tilespmem:$0x1C800] =	vst v63  }
0xac: {  	s30 =	sxor.u32 $0xFFFFFFFF, s16;
	s31 =	sadd.s32 $0xFFFFFFFF, s16;
	s20 =	sshll.u32 @!p0 s21, $0xC  }
0xad: {  	s18 =	sshll.u32 @!p0 s18, $0x7;
	s19 =	sshll.u32 @!p0 s17, $0xD;
	s20 =	sand.u32 @!p0 $0x1000, s20  }
0xae: {  	s21 =	rddreg [dreg:$0x4];
	s17 =	sadd.s32 @!p0 $0x1, s17;
	s18 =	sor.u32 @!p0 s18, s20  }
0xaf: {  	s19 =	sor.u32 @!p0 $0x18000, s19;
	s20 =	simm.s32 @!p0 $0x40;
	s18 =	sor.u32 @!p0 $0x14000, s18  }
0xb0: {  	[tilespmem:s19], [sflag:s17] =	stream.indirect.gather @!p0 [hbm4b:s21+s20], $0x80, s18, s20, $0xb8;
	[tilespmem:$0x1C800] =	vst v63  }
0xb1: {  	s17 =	sand.u32 $0x1, s30;
	p0 =	sgt.u32 s31, $0x9F  }
0xb2: {  	s18 =	sadd.s32 @!p0 $0x1, s17  }
0xb3: {  	s16 =	sadd.s32 $0x2, s31;
	s19 =	sand.u32 @!p0 $0x7E00, s15;
	_ =	swait.ge @!p0 [sflag:s18], $0x2000  }
0xb4: {  	s20 =	sshll.u32 @!p0 s17, $0xD;
	s19 =	sxor.u32 @!p0 $0x4000, s19;
	[sflag:s18] =	ssyncset.done @!p0 $0x0  }
0xb5: {  	s17 =	sadd.s32 @!p0 $0x3, s17;
	[sflag:s18] =	ssyncadd.s32 @!p0 $0xFFFFE000;
	s18 =	sshrl.u32 @!p0 s19, $0x2  }
0xb6: {  	s20 =	sor.u32 @!p0 $0x18000, s20;
	s19 =	simm.s32 @!p0 $0x40;
	s18 =	sor.u32 @!p0 $0x16000, s18  }
0xb7: {  	[spmem:s1] =	stream.indirect.scatter.add.f32 @!p0 [tilespmem:s20], [sflag:s17], $0x80, s18, s19, $0xb8;
	[tilespmem:$0x1C800] =	vst v63  }
0xb8: {  	p0 =	sne.s32 s16, $0xA2  }
.Ltmp1:
0xb9: {  	_ = 	snop;
	(pc) =	sbr.rel @p0 .LBB2_4-.Ltmp1, $2  }
0xba: {  	_ =	sdelay $0x2  }
0xbb: {  	s15 =	sadd.s32 $0x200, s15  }
0xbc: {  	s2 =	sadd.s32 $0x1, s2  }
0xbd: {  	s15 =	sshll.u32 s3, $0x6;
	[bflag:$0x0] =	sbarrier.arrive $0xFFFF;
	p0 =	sne.s32 s2, s9  }
.Ltmp2:
0xbe: {  	s16 =	sshrl.u32 s6, $0x3;
	s15 =	sor.u32 $0x1C07, s15;
	(pc) =	sbr.rel @p0 .LBB2_1-.Ltmp2, $4  }
0xbf: {  	[hbm:s10], [sflag:s15] =	dma.local [spmem:s16], $0x2800  }
0xc0: {  	_ =	swait.ge [sflag:s12], $0x2800  }
0xc1: {  	[sflag:s12] =	ssyncset.done $0x0  }
0xc2: {  	[sflag:s12] =	ssyncadd.s32 $0xFFFFD800  }
0xc3: {  	_ =	sfence.sel $0x180000  }
0xc4: {  	[bflag:$0x0] =	sbarrier.arrive $0xFFFF  }
0xc5: {  	p0 =	sne.s32 s3, $0x0;
	_ =	strace $0x9000004D  }
0xc6: {  	s0 =	sadd.s32 @!p0 $0x100000, s0;
	[bflag:$0x2] =	sbarrier.arrive $0xFFFF  }
0xc7: {  	[sflag:s0] =	ssyncadd.tile.s32 @!p0 $0x1;
	_ =	shalt  }
.Lfunc_end2:
_tile_overlayer_lowered:
.L_overlay_start_2:
0xc8: {  	(tag) =	ssettag $0x2  }
0xc9: {  	s0 =	rddreg [dreg:$0x0];
	s2 =	stileid.u32  }
0xca: {  	s1 =	rddreg [dreg:$0x1];
	p0 =	sne.s32 s2, $0x0  }
0xcb: {  	s3 =	rddreg [dreg:$0x2];
	[bflag:$0x3] =	sbarrier.arrive $0xFFFF;
	s2 =	simm.s32 @!p0 $0x1C07  }
0xcc: {  	[timem:s3], [sflag:s2] =	dma.local @!p0 [hbm:s0], s1  }
0xcd: {  	s0 =	simm.s32 @!p0 $0x7  }
0xce: {  	_ =	swait.ge @!p0 [sflag:s0], s1  }
0xcf: {  	s1 =	ssub.s32 @!p0 $0x0, s1;
	[sflag:s0] =	ssyncset.done @!p0 $0x0  }
0xd0: {  	[sflag:s0] =	ssyncadd.s32 @!p0 s1  }
0xd1: {  	[bflag:$0x3] =	sbarrier.arrive $0xFFFF  }
0xd2: {  	_ =	shalt  }

// kernel: kernel.9.cloned.1.call-start
scs
__scs_entry_jumppad:
0x0: {  	(pc) =	sbr.rel $0x88, $3  }
0x1: {  	(tag) =	ssettag $0x0;
	lr =	simm.s32 $0x1  }
0x2: {  	[smem:$0x3F8E] =	sst lr;
	_ =	strace $0xD0000000  }
0x3: {  	_ = 	snop  }
0x4: {  	_ = 	snop  }
0x5: {  	_ = 	snop  }
0x6: {  	_ = 	snop  }
0x7: {  	_ = 	snop  }
__scs_overlays_trampoline_lowered:
0x8: {  	[smem:$0x3F9D] =	sst s0  }
0x9: {  	[smem:$0x3F9E] =	sst s1  }
0xa: {  	[smem:$0x3F9F] =	sst s2  }
0xb: {  	[smem:$0x3FA0] =	sst s3  }
0xc: {  	[smem:$0x3FA1] =	sst s4  }
0xd: {  	[smem:$0x3FA2] =	sst s5  }
0xe: {  	[smem:$0x3FA3] =	sst s6  }
0xf: {  	[smem:$0x3FA4] =	sst s7  }
0x10: {  	[smem:$0x3FA5] =	sst s8  }
0x11: {  	[smem:$0x3FA6] =	sst s9;
	s0 =	simm.s32 @!p0 $0x0  }
0x12: {  	s1 =	sld [smem:$0x3F8C];
	s0 =	simm.s32 @p0 $0x1  }
0x13: {  	[smem:$0x3FA7] =	sst s0;
	s0 =	simm.s32 @!p1 $0x0  }
0x14: {  	s2 =	sld [smem:$0x3F8B];
	s0 =	simm.s32 @p1 $0x1  }
0x15: {  	[smem:$0x3FA8] =	sst s0;
	s0 =	simm.s32 @!p2 $0x0  }
0x16: {  	s3 =	sld [smem:$0x3FDB];
	s0 =	simm.s32 @p2 $0x1  }
0x17: {  	s4 =	simm.s32 $0x1BF5;
	[smem:$0x3FAA] =	sst s0  }
0x18: {  	s0 =	sld [smem:$0x3F8D];
	_ =	swait.ge [sflag:s4], $0x0  }
0x19: {  	s7 =	sld [smem:$0x3F8E]  }
0x1a: {  	s8 =	sadd.s32 $0xFFFFE003, lr  }
0x1b: {  	s9 =	sadd.s32 $0xFFFFFEF7, lr;
	s5 =	simm.s32 $0xFFFFFFFF;
	p2 =	slt.u32 s8, $0xFFFFF086  }
0x1c: {  	p1 =	slt.u32 s9, $0xF7A;
	s5 =	simm.s32 @!p2 $0x0  }
0x1d: {  	s5 =	simm.s32 @p1 $0x1;
	p0 =	seq.s32 s7, s2  }
0x1e: {  	s7 =	smul.u32 @!p0 $0xF7A, s2;
	p2 =	seq.s32 @!p0 s5, $0x0  }
0x1f: {  	s9 =	smul.u32 $0xF7A, s1;
	s8 =	simm.s32 @!p0 $0x1BF5;
	p2 =	por !p2, p0  }
0x20: {  	[sflag:s8] =	ssyncset.s32 @!p0 $0xFFFFF086;
	s6 =	sadd.s32 @!p0 s3, s7;
	s7 =	simm.s32 @!p0 $0x108  }
0x21: {  	s3 =	sadd.s32 s3, s9;
	s6 =	sadd.s32 @!p0 $0x88, s6;
	s7 =	simm.s32 @p2 $0x1082  }
0x22: {  	[simem:s7], [sflag:s8] =	dma.local @!p0 [hbm:s6], $0xF7A  }
0x23: {  	s9 =	sor.u32 $0xD0000000, s2;
	s6 =	simm.s32 $0x108;
	_ =	swait.ge @!p0 [sflag:s8], $0x0  }
0x24: {  	s3 =	sadd.s32 $0x88, s3;
	s6 =	simm.s32 @!p1 $0x1082;
	[sflag:s4] =	ssyncset.s32 $0xFFFFF086  }
0x25: {  	[simem:s6], [sflag:s4] =	dma.local [hbm:s3], $0xF7A  }
0x26: {  	[smem:$0x3F8E] =	sst s1;
	(tag) =	ssettag s2;
	_ =	strace s9  }
0x27: {  	s1 =	sld [smem:$0x3F9E]  }
0x28: {  	s2 =	sld [smem:$0x3F9F]  }
0x29: {  	s4 =	sld [smem:$0x3FA1]  }
0x2a: {  	p0 =	seq.s32 s5, $0x0;
	s5 =	sld [smem:$0x3FA2]  }
0x2b: {  	s6 =	sld [smem:$0x3FA3]  }
0x2c: {  	s7 =	sld [smem:$0x3FA4]  }
0x2d: {  	s3 =	simm.s32 $0x108;
	s8 =	sld [smem:$0x3FA5]  }
0x2e: {  	s3 =	simm.s32 @!p0 $0x1082;
	s9 =	sld [smem:$0x3FA6]  }
0x2f: {  	lr =	sadd.s32 s0, s3;
	s0 =	sld [smem:$0x3F9D]  }
0x30: {  	s3 =	sld [smem:$0x3FA0]  }
0x31: {  	[smem:$0x3FA9] =	sst s10  }
0x32: {  	s10 =	sld [smem:$0x3FA7];
	_ =	sdelay $0x3  }
0x33: {  	p0 =	seq.s32 s10, $0x1;
	s10 =	sld [smem:$0x3FA9];
	_ =	sdelay $0x3  }
0x34: {  	[smem:$0x3FA9] =	sst s10  }
0x35: {  	s10 =	sld [smem:$0x3FA8];
	_ =	sdelay $0x3  }
0x36: {  	p1 =	seq.s32 s10, $0x1;
	s10 =	sld [smem:$0x3FA9];
	_ =	sdelay $0x3  }
0x37: {  	[smem:$0x3FA9] =	sst s10  }
0x38: {  	s10 =	sld [smem:$0x3FAA]  }
0x39: {  	_ = 	snop;
	(pc) =	sbr.ind lr, $3  }
0x3a: {  	_ = 	snop  }
0x3b: {  	_ = 	snop  }
0x3c: {  	p2 =	seq.s32 s10, $0x1;
	s10 =	sld [smem:$0x3FA9]  }
0x3d: {  	_ =	shalt  }
0x3e: {  	_ =	shalt  }
0x3f: {  	_ =	shalt  }
0x40: {  	_ =	shalt  }
0x41: {  	_ =	shalt  }
0x42: {  	_ =	shalt  }
0x43: {  	_ =	shalt  }
0x44: {  	_ =	shalt  }
0x45: {  	_ =	shalt  }
0x46: {  	_ =	shalt  }
0x47: {  	_ =	shalt  }
0x48: {  	_ =	shalt  }
0x49: {  	_ =	shalt  }
0x4a: {  	_ =	shalt  }
0x4b: {  	_ =	shalt  }
0x4c: {  	_ =	shalt  }
0x4d: {  	_ =	shalt  }
0x4e: {  	_ =	shalt  }
0x4f: {  	_ =	shalt  }
0x50: {  	_ =	shalt  }
0x51: {  	_ =	shalt  }
0x52: {  	_ =	shalt  }
0x53: {  	_ =	shalt  }
0x54: {  	_ =	shalt  }
0x55: {  	_ =	shalt  }
0x56: {  	_ =	shalt  }
0x57: {  	_ =	shalt  }
0x58: {  	_ =	shalt  }
0x59: {  	_ =	shalt  }
0x5a: {  	_ =	shalt  }
0x5b: {  	_ =	shalt  }
0x5c: {  	_ =	shalt  }
0x5d: {  	_ =	shalt  }
0x5e: {  	_ =	shalt  }
0x5f: {  	_ =	shalt  }
0x60: {  	_ =	shalt  }
0x61: {  	_ =	shalt  }
0x62: {  	_ =	shalt  }
0x63: {  	_ =	shalt  }
0x64: {  	_ =	shalt  }
0x65: {  	_ =	shalt  }
0x66: {  	_ =	shalt  }
0x67: {  	_ =	shalt  }
0x68: {  	_ =	shalt  }
0x69: {  	_ =	shalt  }
0x6a: {  	_ =	shalt  }
0x6b: {  	_ =	shalt  }
0x6c: {  	_ =	shalt  }
0x6d: {  	_ =	shalt  }
0x6e: {  	_ =	shalt  }
0x6f: {  	_ =	shalt  }
0x70: {  	_ =	shalt  }
0x71: {  	_ =	shalt  }
0x72: {  	_ =	shalt  }
0x73: {  	_ =	shalt  }
0x74: {  	_ =	shalt  }
0x75: {  	_ =	shalt  }
0x76: {  	_ =	shalt  }
0x77: {  	_ =	shalt  }
0x78: {  	_ =	shalt  }
0x79: {  	_ =	shalt  }
0x7a: {  	_ =	shalt  }
0x7b: {  	_ =	shalt  }
0x7c: {  	_ =	shalt  }
0x7d: {  	_ =	shalt  }
0x7e: {  	_ =	shalt  }
0x7f: {  	_ =	shalt  }
0x80: {  	_ =	shalt  }
0x81: {  	_ =	shalt  }
0x82: {  	_ =	shalt  }
0x83: {  	_ =	shalt  }
0x84: {  	_ =	shalt  }
0x85: {  	_ =	shalt  }
0x86: {  	_ =	shalt  }
0x87: {  	_ =	shalt  }
.Lfunc_end0:
.L_simem_size_0:
called_computation_lowered:
.L_overlay_start_0:
0x88: {  	s2 =	sld [smem:$0x3FD9]  }
0x89: {  	s3 =	sld [smem:$0x3FFE];
	_ =	sdelay $0x1  }
0x8a: {  	s1 =	srdreg.scid  }
0x8b: {  	s0 =	sand.u32 $0x1, s1  }
0x8c: {  	s17 =	sshll.u32 s0, $0xA;
	s2 =	sadd.s32 s3, s2  }
0x8d: {  	s2 =	sadd.s32 s2, s17  }
0x8e: {  	[smem:$0x3FB5] =	sst s2  }
0x8f: {  	_ = 	snop  }
0x90: {  	s2 =	sld [smem:$0x3FD0];
	(tm) =	ssettm $0x1  }
0x91: {  	s18 =	sld [smem:$0x3FFB];
	_ =	sdelay $0x3  }
0x92: {  	_ =	strace s18  }
0x93: {  	s3 =	sld [smem:$0x3FFC];
	_ =	sdelay $0x3  }
0x94: {  	_ =	strace s3  }
0x95: {  	s3 =	sld [smem:$0x3FFD];
	_ =	sdelay $0x3  }
0x96: {  	_ =	strace s3  }
0x97: {  	_ =	strace $0x8FFFFFFF  }
0x98: {  	s19 =	sld [smem:$0x3FDB];
	_ =	sdelay $0x1  }
0x99: {  	s4 =	simm.s32 $_scs_section_size  }
0x9a: {  	s5 =	simm.s32 $_size__tile_overlayer_lowered;
	s6 =	simm.s32 $_tile_overlayer_lowered  }
0x9b: {  	s22 =	simm.s32 $0x1BFF;
	s21 =	sshll.u32 s6, $0x1;
	s3 =	sadd.s32 s4, s19  }
0x9c: {  	s7 =	simm.s32 $0x0;
	s20 =	sshll.u32 s5, $0x1;
	s5 =	sadd.s32 s21, s3  }
0x9d: {  	[timem:s7], [sflag:s22] =	dma.local [hbm:s5], s20  }
0x9e: {  	_ =	swait.ge [sflag:s22], s20  }
0x9f: {  	s4 =	ssub.s32 $0x0, s20;
	[sflag:s22] =	ssyncset.done $0x0  }
0xa0: {  	[sflag:s22] =	ssyncadd.s32 s4;
	_ =	sdelay $0x1  }
0xa1: {  	s23 =	simm.s32 $0x1B8B  }
0xa2: {  	_ =	swait.ge [sflag:s23], $0x1  }
0xa3: {  	[sflag:s23] =	ssyncset.done $0x0  }
0xa4: {  	s25 =	simm.s32 $0x1B8E;
	s24 =	sld [smem:$0x3FFE];
	[sflag:s23] =	ssyncadd.s32 $0xFFFFFFFF  }
0xa5: {  	s26 =	simm.s32 $execute0_lowered;
	[smem:$0x3FD2] =	sst s25  }
0xa6: {  	s5 =	sshll.u32 s26, $0x1;
	_ =	strace $0x80000046;
	[dreg:$0x1] =	wrdreg $0xFFFFFFFF  }
0xa7: {  	s28 =	simm.s32 $_size_execute0_lowered;
	s3 =	sadd.s32 s3, s5;
	[dreg:$0x0] =	wrdreg $0x0  }
0xa8: {  	s5 =	sshll.u32 s28, $0x1;
	[dreg:$0x2] =	wrdreg s3  }
0xa9: {  	[dreg:$0x3] =	wrdreg s5  }
0xaa: {  	[dreg:$0x4] =	wrdreg $0xC0  }
0xab: {  	_ =	task [dreg:s7], $0x5FFFF  }
0xac: {  	[dreg:$0x1] =	wrdreg $0xFFFFFFFF  }
0xad: {  	[dreg:$0x0] =	wrdreg $0x60  }
0xae: {  	[dreg:$0x2] =	wrdreg s24  }
0xaf: {  	[dreg:$0x3] =	wrdreg s2  }
0xb0: {  	[dreg:$0x4] =	wrdreg $0x0  }
0xb1: {  	[dreg:$0x5] =	wrdreg $0x9  }
0xb2: {  	_ =	task.clear_ibuf [dreg:s7], $0x6FFFF;
	_ =	strace $0x90000046  }
0xb3: {  	s29 =	simm.s32 $0x9;
	_ =	strace $0x80000048  }
0xb4: {  	_ =	swait.ge [sflag:s29], $0x1  }
0xb5: {  	[sflag:s29] =	ssyncadd.s32 $0xFFFFFFFF  }
0xb6: {  	_ =	strace $0x90000048  }
0xb7: {  	_ =	sfence  }
0xb8: {  	s30 =	sld [smem:$0x0];
	_ =	sdelay $0x2  }
0xb9: {  	s31 =	sshll.u32 s1, $0xD;
	s1 =	sshrl.u32 s1, $0x2  }
0xba: {  	s3 =	sand.u32 $0x4000, s31;
	s1 =	sadd.s32 s1, s30  }
0xbb: {  	s0 =	sor.u32 s3, s0;
	s1 =	sshll.u32 s1, $0x11  }
0xbc: {  	s0 =	sor.u32 s1, s0  }
0xbd: {  	s0 =	sadd.s32 $0x8F2B, s0  }
0xbe: {  	[sflag:s0] =	ssyncadd.remote.s32 $0x1  }
0xbf: {  	_ =	sfence.sel $0xFFFF  }
0xc0: {  	[dreg:$0x0] =	wrdreg $0xFFFFFFFF;
	(pc) =	sbr.abs _section_cstart, $3  }
0xc1: {  	[dreg:$0x1] =	wrdreg $0xFFFFFFFF  }
0xc2: {  	_ =	task.clear_ibuf [dreg:s7], $0x2FFFF;
	_ =	strace $0x9FFFFFFF  }
0xc3: {  	(tm) =	ssettm $0x7FFFFFFF  }
tec
execute0_lowered:
.L_overlay_start_1:
0x0: {  	(tag) =	ssettag $0x1  }
0x1: {  	s3 =	rddreg [dreg:$0x0]  }
0x2: {  	s0 =	srdreg.scid;
	s5 =	rddreg [dreg:$0x1]  }
0x3: {  	s1 =	rddreg [dreg:$0x2];
	s12 =	stileid.u32;
	s2 =	simm.s32 $0x0  }
0x4: {  	s10 =	simm.s32 $0x40;
	s4 =	sand.u32 $0x1, s0;
	s0 =	rddreg [dreg:$0x3]  }
0x5: {  	s11 =	simm.s32 $0x5280;
	s14 =	simm.s32 $0x0;
	[smem:$0x7FF] =	sst s2  }
0x6: {  	s8 =	smul.u32 $0xA00, s12;
	p0 =	sne.s32 s12, $0x0;
	s6 =	sshll.u32 s4, $0x4  }
0x7: {  	_ =	strace $0x80000047;
	s7 =	ssub.s32 $0x2, s4;
	s9 =	smul.u32 $0x500, s4  }
0x8: {  	s13 =	sshrl.u32 @!p0 s1, $0x3;
	s6 =	sor.u32 s12, s6;
	s30 =	sshrl.u32 s7, $0x1  }
0x9: {  	s31 =	sshrl.u32 s8, $0x2;
	s8 =	simm.s32 $0x2;
	s6 =	smul.u32 $0xA00, s6  }
0xa: {  	s12 =	simm.s32 $0x1;
	s4 =	sadd.s32 s31, s1;
	s5 =	sadd.s32 s5, s9  }
0xb: {  	s9 =	simm.s32 $0x5300;
	s3 =	sadd.s32 s6, s3;
	s6 =	ssub.s32 s7, s30  }
0xc: {  	v0 =	vimm.f32 $0.0e+00;
	v1 =	vimm.f32 $1.000000000e+00;
	s7 =	simm.s32 $0x280;
	s3 =	sadd.s32 $0x5E00, s3;
	s6 =	smax.u32 s6, $0x1  }
.LBB2_1:
0xd: {  	[tilespmem:$0x5300] =	vst v0  }
0xe: {  	[tilespmem:$0x5310] =	vst v0  }
0xf: {  	[tilespmem:$0x5320] =	vst v0  }
0x10: {  	[tilespmem:$0x5330] =	vst v0  }
0x11: {  	[tilespmem:$0x5340] =	vst v0  }
0x12: {  	[tilespmem:$0x5350] =	vst v0  }
0x13: {  	[tilespmem:$0x5360] =	vst v0  }
0x14: {  	[tilespmem:$0x5370] =	vst v0  }
0x15: {  	[tilespmem:$0x5380] =	vst v0  }
0x16: {  	[tilespmem:$0x5390] =	vst v0  }
0x17: {  	[tilespmem:$0x53A0] =	vst v0  }
0x18: {  	[tilespmem:$0x53B0] =	vst v0  }
0x19: {  	[tilespmem:$0x53C0] =	vst v0  }
0x1a: {  	[tilespmem:$0x53D0] =	vst v0  }
0x1b: {  	[tilespmem:$0x53E0] =	vst v0  }
0x1c: {  	[tilespmem:$0x53F0] =	vst v0  }
0x1d: {  	[tilespmem:$0x5400] =	vst v0  }
0x1e: {  	[tilespmem:$0x5410] =	vst v0  }
0x1f: {  	[tilespmem:$0x5420] =	vst v0  }
0x20: {  	[tilespmem:$0x5430] =	vst v0  }
0x21: {  	[tilespmem:$0x5440] =	vst v0  }
0x22: {  	[tilespmem:$0x5450] =	vst v0  }
0x23: {  	[tilespmem:$0x5460] =	vst v0  }
0x24: {  	[tilespmem:$0x5470] =	vst v0  }
0x25: {  	[tilespmem:$0x5480] =	vst v0  }
0x26: {  	[tilespmem:$0x5490] =	vst v0  }
0x27: {  	[tilespmem:$0x54A0] =	vst v0  }
0x28: {  	[tilespmem:$0x54B0] =	vst v0  }
0x29: {  	[tilespmem:$0x54C0] =	vst v0  }
0x2a: {  	[tilespmem:$0x54D0] =	vst v0  }
0x2b: {  	[tilespmem:$0x54E0] =	vst v0  }
0x2c: {  	[tilespmem:$0x54F0] =	vst v0  }
0x2d: {  	[tilespmem:$0x5500] =	vst v0  }
0x2e: {  	[tilespmem:$0x5510] =	vst v0  }
0x2f: {  	[tilespmem:$0x5520] =	vst v0  }
0x30: {  	[tilespmem:$0x5530] =	vst v0  }
0x31: {  	[tilespmem:$0x5540] =	vst v0  }
0x32: {  	[tilespmem:$0x5550] =	vst v0  }
0x33: {  	[tilespmem:$0x5560] =	vst v0  }
0x34: {  	[tilespmem:$0x5570] =	vst v0  }
0x35: {  	[tilespmem:$0x5280] =	vst v1  }
0x36: {  	[tilespmem:$0x5290] =	vst v1  }
0x37: {  	[tilespmem:$0x52A0] =	vst v1  }
0x38: {  	[tilespmem:$0x52B0] =	vst v1  }
0x39: {  	[tilespmem:s7], [sflag:$0x2] =	stream.linear.gather [hbm4b:s3+s2], $0x5000, $0x38;
	[tilespmem:$0x5580] =	vst v63  }
0x3a: {  	_ =	swait.ge [sflag:s8], $0x5000  }
0x3b: {  	[sflag:s8] =	ssyncset.done $0x0  }
0x3c: {  	[sflag:s8] =	ssyncadd.s32 $0xFFFFB000  }
0x3d: {  	[spmem:s4] =	stream.linear.scatter [tilespmem:s9], [sflag:$0x2], $0x280, $0x38;
	[tilespmem:$0x5580] =	vst v63  }
0x3e: {  	_ =	swait.ge [sflag:s8], $0x280  }
0x3f: {  	[sflag:s8] =	ssyncset.done $0x0  }
0x40: {  	[sflag:s8] =	ssyncadd.s32 $0xFFFFFD80  }
0x41: {  	s15 =	simm.s32 $0x0;
	[bflag:$0x0] =	sbarrier.arrive $0xFFFF  }
.LBB2_2:
0x42: {  	p1 =	sne.s32 s15, $0x13E00  }
.Ltmp0:
0x43: {  	_ = 	snop;
	(pc) =	sbr.rel @p1 .LBB2_2-.Ltmp0, $4  }
0x44: {  	_ = 	snop  }
0x45: {  	s16 =	sshra.s32 s15, $0x2  }
0x46: {  	s15 =	sadd.s32 $0x200, s15;
	s16 =	sadd.s32 $0x280, s16  }
0x47: {  	[spmem:s1] =	stream.indirect.scatter.add.f32 [tilespmem:s11], [sflag:$0x1], $0x1, s16, s10, $0xb8;
	[tilespmem:$0x5580] =	vst v63  }
0x48: {  	_ =	swait.ge [sflag:s12], $0x40  }
0x49: {  	s15 =	simm.s32 $0x9F;
	[sflag:s12] =	ssyncset.done $0x0  }
.LBB2_4:
0x4a: {  	p1 =	sne.s32 s15, $0x1;
	s15 =	sadd.s32 $0xFFFFFFFF, s15;
	[sflag:s12] =	ssyncadd.s32 $0xFFFFFFC0  }
.Ltmp1:
0x4b: {  	(pc) =	sbr.rel @p1 .LBB2_4-.Ltmp1, $3  }
0x4c: {  	_ =	sdelay $0x1  }
0x4d: {  	_ =	swait.ge [sflag:s12], $0x40  }
0x4e: {  	[sflag:s12] =	ssyncset.done $0x0  }
0x4f: {  	[sflag:s12] =	ssyncadd.s32 $0xFFFFFFC0;
	s14 =	sadd.s32 $0x1, s14  }
0x50: {  	s15 =	simm.s32 @!p0 $0x1C02;
	[bflag:$0x0] =	sbarrier.arrive $0xFFFF;
	p1 =	sne.s32 s14, s6  }
0x51: {  	[hbm:s5], [sflag:s15] =	dma.local @!p0 [spmem:s13], $0x500  }
.Ltmp2:
0x52: {  	_ = 	snop;
	(pc) =	sbr.rel @p1 .LBB2_1-.Ltmp2, $4  }
0x53: {  	s15 =	simm.s32 @!p0 $0x2  }
0x54: {  	_ =	swait.ge @!p0 [sflag:s15], $0x500  }
0x55: {  	[sflag:s15] =	ssyncset.done @!p0 $0x0  }
0x56: {  	[sflag:s15] =	ssyncadd.s32 @!p0 $0xFFFFFB00  }
0x57: {  	_ =	sfence.sel $0x180000  }
0x58: {  	[bflag:$0x0] =	sbarrier.arrive $0xFFFF  }
0x59: {  	_ =	strace $0x90000047  }
0x5a: {  	s0 =	sadd.s32 @!p0 $0x100000, s0;
	[bflag:$0x2] =	sbarrier.arrive $0xFFFF  }
0x5b: {  	[sflag:s0] =	ssyncadd.tile.s32 @!p0 $0x1;
	_ =	shalt  }
.Lfunc_end2:
_tile_overlayer_lowered:
.L_overlay_start_2:
0x5c: {  	(tag) =	ssettag $0x2  }
0x5d: {  	s0 =	rddreg [dreg:$0x0];
	s2 =	stileid.u32  }
0x5e: {  	s1 =	rddreg [dreg:$0x1];
	p0 =	sne.s32 s2, $0x0  }
0x5f: {  	s3 =	rddreg [dreg:$0x2];
	[bflag:$0x3] =	sbarrier.arrive $0xFFFF;
	s2 =	simm.s32 @!p0 $0x1C02  }
0x60: {  	[timem:s3], [sflag:s2] =	dma.local @!p0 [hbm:s0], s1  }
0x61: {  	s0 =	simm.s32 @!p0 $0x2  }
0x62: {  	_ =	swait.ge @!p0 [sflag:s0], s1  }
0x63: {  	s1 =	ssub.s32 @!p0 $0x0, s1;
	[sflag:s0] =	ssyncset.done @!p0 $0x0  }
0x64: {  	[sflag:s0] =	ssyncadd.s32 @!p0 s1  }
0x65: {  	[bflag:$0x3] =	sbarrier.arrive $0xFFFF  }
0x66: {  	_ =	shalt  }

</sc_bundles>
